<compile_context>
chip_gen: v7x
topology: tpu7x:2x2x1
jax: 0.10.2.dev20260603
libtpu: 0.0.44.dev20260713+nightly
codegen_flags: <defaults>
</compile_context>

<pallas_src>
import functools

import jax
import jax.numpy as jnp
from jax import lax
from jax.experimental import pallas as pl
from jax.experimental.pallas import tpu as pltpu
from jax.experimental.pallas import tpu_sc as plsc

N = 10000
E = 320000
D = 128
NP = 10240

NC = 1
NS = 16
NW = NC * NS
EPW = E // NW
LANES = 16
STEPS = EPW // LANES

BN = 5120
GRID = NP // BN
BNC = 2048
GRIDC = NP // BNC


def _mlp_body(x_ref, w0_ref, b0_ref, a0_ref, w1_ref, a1_ref, w2_ref, a2_ref,
              w3_ref, b3_ref, edge_ref, out_row_ref,
              row_lin_ref, col_lin_ref, semr, semc):
    i = pl.program_id(0)
    cr = pltpu.make_async_copy(edge_ref.at[0], row_lin_ref, semr)
    cc = pltpu.make_async_copy(edge_ref.at[1], col_lin_ref, semc)

    @pl.when(i == 0)
    def _():
        cr.start()
        cc.start()

    x = x_ref[...]
    dn = (((1,), (1,)), ((), ()))
    h = lax.dot_general(x, w0_ref[...], dn, preferred_element_type=jnp.float32)
    h = h + b0_ref[...]
    h = jnp.where(h >= 0, h, a0_ref[0, 0] * h)
    h = lax.dot_general(h, w1_ref[...], dn, preferred_element_type=jnp.float32)
    h = jnp.where(h >= 0, h, a1_ref[0, 0] * h)
    h = lax.dot_general(h, w2_ref[...], dn, preferred_element_type=jnp.float32)
    h = jnp.where(h >= 0, h, a2_ref[0, 0] * h)
    ang = lax.dot_general(w3_ref[...], h, dn, preferred_element_type=jnp.float32)
    scaled = 0.25 * (ang + b3_ref[0, 0])
    out_row_ref[:, pl.ds(i * BN, BN)] = scaled

    @pl.when(i == GRID - 1)
    def _():
        cr.wait()
        cc.wait()


def _mlp(coeffs, W0, b0, a0, W1, a1, W2, a2, W3, b3, edge_index):
    full = lambda shape: pl.BlockSpec(shape, lambda i: (0, 0))
    return pl.pallas_call(
        _mlp_body,
        grid=(GRID,),
        in_specs=[
            pl.BlockSpec((BN, D), lambda i: (i, 0)),
            full((D, D)), full((1, D)), full((1, 1)),
            full((D, D)), full((1, 1)),
            full((D, D)), full((1, 1)),
            full((1, D)), full((1, 1)),
            pl.BlockSpec((2, E), lambda i: (0, 0)),
        ],
        out_specs=[
            pl.BlockSpec((1, NP), lambda i: (0, 0)),
            pl.BlockSpec(memory_space=pltpu.MemorySpace.HBM),
            pl.BlockSpec(memory_space=pltpu.MemorySpace.HBM),
        ],
        out_shape=[
            jax.ShapeDtypeStruct((1, NP), jnp.float32),
            jax.ShapeDtypeStruct((E,), jnp.int32),
            jax.ShapeDtypeStruct((E,), jnp.int32),
        ],
        scratch_shapes=[
            pltpu.SemaphoreType.DMA,
            pltpu.SemaphoreType.DMA,
        ],
    )(coeffs, W0, b0.reshape(1, D), a0.reshape(1, 1),
      W1, a1.reshape(1, 1), W2, a2.reshape(1, 1),
      W3, b3.reshape(1, 1), edge_index)


_NCH = 2
_CH_OFF = tuple((EPW * k // _NCH) // 16 * 16 for k in range(_NCH))
_CH_END = tuple(_CH_OFF[1:]) + (EPW,)


def _sc_body(scaled_hbm, row_hbm, col_hbm, out_hbm, tab_v, row_v, col_v, acc_v,
             semt, *sems):
    wid = lax.axis_index("s") * NC + lax.axis_index("c")
    base = wid * EPW
    ct = pltpu.make_async_copy(scaled_hbm, tab_v, semt)
    ct.start()
    copies = []
    for k in range(_NCH):
        o, ln = _CH_OFF[k], _CH_END[k] - _CH_OFF[k]
        cr = pltpu.make_async_copy(row_hbm.at[pl.ds(base + o, ln)],
                                   row_v.at[pl.ds(o, ln)], sems[2 * k])
        cc = pltpu.make_async_copy(col_hbm.at[pl.ds(base + o, ln)],
                                   col_v.at[pl.ds(o, ln)], sems[2 * k + 1])
        cr.start()
        cc.start()
        copies.append((cr, cc))

    zeros = jnp.zeros((LANES,), jnp.float32)

    @plsc.parallel_loop(0, NP // LANES, unroll=16)
    def zbody(i):
        acc_v[pl.ds(i * LANES, LANES)] = zeros

    ct.wait()
    for k in range(_NCH):
        cr, cc = copies[k]
        cr.wait()
        cc.wait()

        @plsc.parallel_loop(_CH_OFF[k] // LANES, _CH_END[k] // LANES,
                            unroll=16)
        def body(i):
            c = col_v[pl.ds(i * LANES, LANES)]
            r = row_v[pl.ds(i * LANES, LANES)]
            vals = plsc.load_gather(tab_v, [c])
            plsc.addupdate_scatter(acc_v, [r], vals)

    pltpu.sync_copy(acc_v, out_hbm.at[wid])


def _sc_scatter(scaled_flat, row, col):
    mesh = plsc.VectorSubcoreMesh(core_axis_name="c", subcore_axis_name="s",
                                  num_cores=NC)
    k = functools.partial(
        pl.kernel,
        mesh=mesh,
        out_type=jax.ShapeDtypeStruct((NW, NP), jnp.float32),
        scratch_types=[
            pltpu.VMEM((NP,), jnp.float32),
            pltpu.VMEM((EPW,), jnp.int32),
            pltpu.VMEM((EPW,), jnp.int32),
            pltpu.VMEM((NP,), jnp.float32),
        ] + [pltpu.SemaphoreType.DMA] * (1 + 2 * _NCH),
        compiler_params=pltpu.CompilerParams(needs_layout_passes=False),
    )(_sc_body)
    return k(scaled_flat, row, col)


def _combine_body(p_ref, s_ref, out_ref):
    i = pl.program_id(0)
    sl = pl.ds(i * BNC, BNC)
    v = 4.0 * s_ref[:, sl] + jnp.sum(p_ref[:, sl], axis=0, keepdims=True)

    @pl.when(i < GRIDC - 1)
    def _():
        out_ref[:, pl.ds(i * BNC, BNC)] = v

    @pl.when(i == GRIDC - 1)
    def _():
        out_ref[:, pl.ds(i * BNC, N - (GRIDC - 1) * BNC)] = \
            v[:, :N - (GRIDC - 1) * BNC]


def _combine(partials, scaled_row):
    return pl.pallas_call(
        _combine_body,
        grid=(GRIDC,),
        in_specs=[
            pl.BlockSpec((NW, NP), lambda i: (0, 0)),
            pl.BlockSpec((1, NP), lambda i: (0, 0)),
        ],
        out_specs=pl.BlockSpec((1, N), lambda i: (0, 0)),
        out_shape=jax.ShapeDtypeStruct((1, N), jnp.float32),
    )(partials, scaled_row)


def kernel(coeffs, edge_index, W0, b0, a0, W1, a1, W2, a2, W3, b3):
    scaled_row, row_lin, col_lin = _mlp(
        coeffs, W0, b0, a0, W1, a1, W2, a2, W3, b3, edge_index)
    partials = _sc_scatter(scaled_row.reshape(NP), row_lin, col_lin)
    return _combine(partials, scaled_row).reshape(N, 1)

# --- scband reference (transcript-rebuilt; emitter-appended) ---
"""Pipeline reference for scband-ro-gpelinear-node-encoder-45045617000786 (READ-ONLY COPY).

The authoritative reference and input builder live on the scoring server;
editing this copy changes nothing except your own understanding.
"""

import jax, jax.numpy as jnp
import numpy as np

N = 10000
E = 320000
D = 128


def _xavier(key, shape):
    fan_in, fan_out = shape[1], shape[0]
    std = float(np.sqrt(2.0 / (fan_in + fan_out)))
    return jax.random.normal(key, shape, dtype=jnp.float32) * std


def setup_inputs(seed: int = 0) -> dict:
    key = jax.random.key(seed)
    ks = jax.random.split(key, 10)
    coeffs = jax.random.normal(ks[0], (N, D), dtype=jnp.float32)
    edge_index = jax.random.randint(ks[1], (2, E), 0, N, dtype=jnp.int32)
    # MLP params: Linear(D,D)+PReLU, 2x [Linear(D,D,no bias)+PReLU+Dropout], Linear(D,1)
    W0 = _xavier(ks[2], (D, D))
    b0 = jnp.zeros((D,), dtype=jnp.float32)
    a0 = jnp.full((1,), 0.25, dtype=jnp.float32)
    W1 = _xavier(ks[3], (D, D))
    a1 = jnp.full((1,), 0.25, dtype=jnp.float32)
    W2 = _xavier(ks[4], (D, D))
    a2 = jnp.full((1,), 0.25, dtype=jnp.float32)
    W3 = _xavier(ks[5], (1, D))
    b3 = jnp.zeros((1,), dtype=jnp.float32)
    return {"coeffs": coeffs, "edge_index": edge_index, "W0": W0, "b0": b0, "a0": a0,
            "W1": W1, "a1": a1, "W2": W2, "a2": a2, "W3": W3, "b3": b3}


def _prelu(x, a):
    return jnp.where(x >= 0, x, a * x)


def reference(coeffs, edge_index, W0, b0, a0, W1, a1, W2, a2, W3, b3):
    # MLP producing per-node rotation angles (dropout is identity in eval mode)
    h = coeffs @ W0.T + b0
    h = _prelu(h, a0)
    h = h @ W1.T
    h = _prelu(h, a1)
    h = h @ W2.T
    h = _prelu(h, a2)
    angles = h @ W3.T + b3  # [N, 1]
    # aggregate_k_hop with k=1, alpha=2.0: one gather + scatter-add over edges
    row = edge_index[0]
    col = edge_index[1]
    msg = angles[col] * ((1.0 / 2.0) ** 2.0)
    enhanced = angles.at[row].add(msg)
    return enhanced

if __name__ == "__main__":
    import jax
    _d = setup_inputs()
    print(jax.jit(kernel)(*tuple(_d.values())))

</pallas_src>

<mosaic_0001>
#map = affine_map<(d0, d1) -> (0)>
#map1 = affine_map<(d0, d1) -> (0, 0)>
module attributes {stable_mosaic.version = 14 : i64} {
  func.func @_sc_body(%arg0: i32, %arg1: i32, %arg2: memref<10240xf32, #tpu.memory_space<hbm>>, %arg3: memref<320000xi32, #tpu.memory_space<hbm>>, %arg4: memref<320000xi32, #tpu.memory_space<hbm>>, %arg5: memref<16x10240xf32, #tpu.memory_space<hbm>>, %arg6: memref<10240xf32, #tpu.memory_space<vmem>>, %arg7: memref<20000xi32, #tpu.memory_space<vmem>>, %arg8: memref<20000xi32, #tpu.memory_space<vmem>>, %arg9: memref<10240xf32, #tpu.memory_space<vmem>>, %arg10: memref<!tpu.dma_semaphore, #tpu.memory_space<semaphore_mem>>, %arg11: memref<!tpu.dma_semaphore, #tpu.memory_space<semaphore_mem>>, %arg12: memref<!tpu.dma_semaphore, #tpu.memory_space<semaphore_mem>>, %arg13: memref<!tpu.dma_semaphore, #tpu.memory_space<semaphore_mem>>, %arg14: memref<!tpu.dma_semaphore, #tpu.memory_space<semaphore_mem>>) attributes {dimension_semantics = [#tpu.dimension_semantics<core_parallel>, #tpu.dimension_semantics<subcore_parallel>], iteration_bounds = array<i64: 1, 16>, scalar_prefetch = 0 : i64, scratch_operands = 9 : i64, tpu.core_type = #tpu.core_type<sc_vector_subcore>, window_params = [{transform_indices = #map}, {transform_indices = #map}, {transform_indices = #map}, {transform_indices = #map1}]} {
    %mul3A = arith.constant 1 : i32
    %mul3A_0 = arith.muli %arg1, %mul3A : i32
    %add3A = arith.addi %mul3A_0, %arg0 : i32
    %mul3A_1 = arith.constant 20000 : i32
    %mul3A_2 = arith.muli %add3A, %mul3A_1 : i32
    tpu.enqueue_dma source(%arg2 : memref<10240xf32, #tpu.memory_space<hbm>>) target(%arg6 : memref<10240xf32, #tpu.memory_space<vmem>>) target_semaphore(%arg10 : memref<!tpu.dma_semaphore, #tpu.memory_space<semaphore_mem>>)
    %add3A_3 = arith.constant 0 : i32
    %add3A_4 = arith.addi %mul3A_2, %add3A_3 : i32
    %add3A_5 = arith.constant 0 : i32
    %add3A_6 = arith.addi %mul3A_2, %add3A_5 : i32
    %dma_start3A = arith.constant 0 : i32
    %dma_start3A_7 = tpu.memref_slice %arg7[%dma_start3A] : memref<20000xi32, #tpu.memory_space<vmem>> -> memref<10000xi32, #tpu.memory_space<vmem>>
    %dma_start3A_8 = tpu.memref_slice %arg3[%add3A_4] : memref<320000xi32, #tpu.memory_space<hbm>> -> memref<10000xi32, #tpu.memory_space<hbm>>
    %dma_start3A_9 = arith.constant 0 : i32
    %dma_start3A_10 = tpu.memref_slice %arg7[%dma_start3A_9] : memref<20000xi32, #tpu.memory_space<vmem>> -> memref<10000xi32, #tpu.memory_space<vmem>>
    %dma_start3A_11 = tpu.memref_slice %arg3[%add3A_4] : memref<320000xi32, #tpu.memory_space<hbm>> -> memref<10000xi32, #tpu.memory_space<hbm>>
    tpu.enqueue_dma source(%dma_start3A_11 : memref<10000xi32, #tpu.memory_space<hbm>>) target(%dma_start3A_10 : memref<10000xi32, #tpu.memory_space<vmem>>) target_semaphore(%arg11 : memref<!tpu.dma_semaphore, #tpu.memory_space<semaphore_mem>>)
    %dma_start3A_12 = arith.constant 0 : i32
    %dma_start3A_13 = tpu.memref_slice %arg8[%dma_start3A_12] : memref<20000xi32, #tpu.memory_space<vmem>> -> memref<10000xi32, #tpu.memory_space<vmem>>
    %dma_start3A_14 = tpu.memref_slice %arg4[%add3A_6] : memref<320000xi32, #tpu.memory_space<hbm>> -> memref<10000xi32, #tpu.memory_space<hbm>>
    %dma_start3A_15 = arith.constant 0 : i32
    %dma_start3A_16 = tpu.memref_slice %arg8[%dma_start3A_15] : memref<20000xi32, #tpu.memory_space<vmem>> -> memref<10000xi32, #tpu.memory_space<vmem>>
    %dma_start3A_17 = tpu.memref_slice %arg4[%add3A_6] : memref<320000xi32, #tpu.memory_space<hbm>> -> memref<10000xi32, #tpu.memory_space<hbm>>
    tpu.enqueue_dma source(%dma_start3A_17 : memref<10000xi32, #tpu.memory_space<hbm>>) target(%dma_start3A_16 : memref<10000xi32, #tpu.memory_space<vmem>>) target_semaphore(%arg12 : memref<!tpu.dma_semaphore, #tpu.memory_space<semaphore_mem>>)
    %add3A_18 = arith.constant 10000 : i32
    %add3A_19 = arith.addi %mul3A_2, %add3A_18 : i32
    %add3A_20 = arith.constant 10000 : i32
    %add3A_21 = arith.addi %mul3A_2, %add3A_20 : i32
    %dma_start3A_22 = arith.constant 10000 : i32
    %dma_start3A_23 = tpu.memref_slice %arg7[%dma_start3A_22] : memref<20000xi32, #tpu.memory_space<vmem>> -> memref<10000xi32, #tpu.memory_space<vmem>>
    %dma_start3A_24 = tpu.memref_slice %arg3[%add3A_19] : memref<320000xi32, #tpu.memory_space<hbm>> -> memref<10000xi32, #tpu.memory_space<hbm>>
    %dma_start3A_25 = arith.constant 10000 : i32
    %dma_start3A_26 = tpu.memref_slice %arg7[%dma_start3A_25] : memref<20000xi32, #tpu.memory_space<vmem>> -> memref<10000xi32, #tpu.memory_space<vmem>>
    %dma_start3A_27 = tpu.memref_slice %arg3[%add3A_19] : memref<320000xi32, #tpu.memory_space<hbm>> -> memref<10000xi32, #tpu.memory_space<hbm>>
    tpu.enqueue_dma source(%dma_start3A_27 : memref<10000xi32, #tpu.memory_space<hbm>>) target(%dma_start3A_26 : memref<10000xi32, #tpu.memory_space<vmem>>) target_semaphore(%arg13 : memref<!tpu.dma_semaphore, #tpu.memory_space<semaphore_mem>>)
    %dma_start3A_28 = arith.constant 10000 : i32
    %dma_start3A_29 = tpu.memref_slice %arg8[%dma_start3A_28] : memref<20000xi32, #tpu.memory_space<vmem>> -> memref<10000xi32, #tpu.memory_space<vmem>>
    %dma_start3A_30 = tpu.memref_slice %arg4[%add3A_21] : memref<320000xi32, #tpu.memory_space<hbm>> -> memref<10000xi32, #tpu.memory_space<hbm>>
    %dma_start3A_31 = arith.constant 10000 : i32
    %dma_start3A_32 = tpu.memref_slice %arg8[%dma_start3A_31] : memref<20000xi32, #tpu.memory_space<vmem>> -> memref<10000xi32, #tpu.memory_space<vmem>>
    %dma_start3A_33 = tpu.memref_slice %arg4[%add3A_21] : memref<320000xi32, #tpu.memory_space<hbm>> -> memref<10000xi32, #tpu.memory_space<hbm>>
    tpu.enqueue_dma source(%dma_start3A_33 : memref<10000xi32, #tpu.memory_space<hbm>>) target(%dma_start3A_32 : memref<10000xi32, #tpu.memory_space<vmem>>) target_semaphore(%arg14 : memref<!tpu.dma_semaphore, #tpu.memory_space<semaphore_mem>>)
    %broadcast_in_dim3A = arith.constant 0.000000e+00 : f32
    %broadcast_in_dim3A_34 = vector.broadcast %broadcast_in_dim3A : f32 to vector<16xf32>
    %parallel_loop3A = arith.constant 0 : i32
    %parallel_loop3A_35 = arith.constant 640 : i32
    %parallel_loop3A_36 = arith.constant 1 : i32
    scf.for %parallel_loop3A_66 = %parallel_loop3A to %parallel_loop3A_35 step %parallel_loop3A_36  : i32 {
      %parallel_loop3A_67 = arith.constant 16 : i32
      %parallel_loop3A_68 = arith.muli %parallel_loop3A_66, %parallel_loop3A_67 : i32
      %parallel_loop3A_69 = arith.index_cast %parallel_loop3A_68 : i32 to index
      %parallel_loop3A_70 = tpu.vector_load %arg9[%parallel_loop3A_69] {strides = array<i32>} : memref<10240xf32, #tpu.memory_space<vmem>>, vector<16xf32>,
      tpu.vector_store %arg9[%parallel_loop3A_69], %broadcast_in_dim3A_34 {strides = array<i32>} : memref<10240xf32, #tpu.memory_space<vmem>>, vector<16xf32>,
    } {sc.loop_unroll_factor = 16 : i64, sc.parallel_access}
    tpu.wait_dma2 semaphore(%arg10 : memref<!tpu.dma_semaphore, #tpu.memory_space<semaphore_mem>>) src(%arg2 : memref<10240xf32, #tpu.memory_space<hbm>>) dst(%arg6 : memref<10240xf32, #tpu.memory_space<vmem>>)
    %dma_wait3A = arith.constant 0 : i32
    %dma_wait3A_37 = tpu.memref_slice %arg7[%dma_wait3A] : memref<20000xi32, #tpu.memory_space<vmem>> -> memref<10000xi32, #tpu.memory_space<vmem>>
    %dma_wait3A_38 = tpu.memref_slice %arg3[%add3A_4] : memref<320000xi32, #tpu.memory_space<hbm>> -> memref<10000xi32, #tpu.memory_space<hbm>>
    %dma_wait3A_39 = arith.constant 0 : i32
    %dma_wait3A_40 = tpu.memref_slice %arg7[%dma_wait3A_39] : memref<20000xi32, #tpu.memory_space<vmem>> -> memref<10000xi32, #tpu.memory_space<vmem>>
    %dma_wait3A_41 = tpu.memref_slice %arg3[%add3A_4] : memref<320000xi32, #tpu.memory_space<hbm>> -> memref<10000xi32, #tpu.memory_space<hbm>>
    tpu.wait_dma2 semaphore(%arg11 : memref<!tpu.dma_semaphore, #tpu.memory_space<semaphore_mem>>) src(%dma_wait3A_41 : memref<10000xi32, #tpu.memory_space<hbm>>) dst(%dma_wait3A_40 : memref<10000xi32, #tpu.memory_space<vmem>>)
    %dma_wait3A_42 = arith.constant 0 : i32
    %dma_wait3A_43 = tpu.memref_slice %arg8[%dma_wait3A_42] : memref<20000xi32, #tpu.memory_space<vmem>> -> memref<10000xi32, #tpu.memory_space<vmem>>
    %dma_wait3A_44 = tpu.memref_slice %arg4[%add3A_6] : memref<320000xi32, #tpu.memory_space<hbm>> -> memref<10000xi32, #tpu.memory_space<hbm>>
    %dma_wait3A_45 = arith.constant 0 : i32
    %dma_wait3A_46 = tpu.memref_slice %arg8[%dma_wait3A_45] : memref<20000xi32, #tpu.memory_space<vmem>> -> memref<10000xi32, #tpu.memory_space<vmem>>
    %dma_wait3A_47 = tpu.memref_slice %arg4[%add3A_6] : memref<320000xi32, #tpu.memory_space<hbm>> -> memref<10000xi32, #tpu.memory_space<hbm>>
    tpu.wait_dma2 semaphore(%arg12 : memref<!tpu.dma_semaphore, #tpu.memory_space<semaphore_mem>>) src(%dma_wait3A_47 : memref<10000xi32, #tpu.memory_space<hbm>>) dst(%dma_wait3A_46 : memref<10000xi32, #tpu.memory_space<vmem>>)
    %parallel_loop3A_48 = arith.constant 0 : i32
    %parallel_loop3A_49 = arith.constant 625 : i32
    %parallel_loop3A_50 = arith.constant 1 : i32
    scf.for %parallel_loop3A_66 = %parallel_loop3A_48 to %parallel_loop3A_49 step %parallel_loop3A_50  : i32 {
      %parallel_loop3A_67 = arith.constant 16 : i32
      %parallel_loop3A_68 = arith.muli %parallel_loop3A_66, %parallel_loop3A_67 : i32
      %parallel_loop3A_69 = arith.index_cast %parallel_loop3A_68 : i32 to index
      %parallel_loop3A_70 = tpu.vector_load %arg8[%parallel_loop3A_69] {strides = array<i32>} : memref<20000xi32, #tpu.memory_space<vmem>>, vector<16xi32>,
      %parallel_loop3A_71 = arith.constant 16 : i32
      %parallel_loop3A_72 = arith.muli %parallel_loop3A_66, %parallel_loop3A_71 : i32
      %parallel_loop3A_73 = arith.index_cast %parallel_loop3A_72 : i32 to index
      %parallel_loop3A_74 = tpu.vector_load %arg7[%parallel_loop3A_73] {strides = array<i32>} : memref<20000xi32, #tpu.memory_space<vmem>>, vector<16xi32>,
      %parallel_loop3A_75 = tpu.vector_load_idx %arg6[%parallel_loop3A_70] : memref<10240xf32, #tpu.memory_space<vmem>>[vector<16xi32>], vector<16xf32>,
      tpu.vector_store_idx %arg9[%parallel_loop3A_74], %parallel_loop3A_75 {add = true} : memref<10240xf32, #tpu.memory_space<vmem>>[vector<16xi32>], vector<16xf32>,
    } {sc.loop_unroll_factor = 16 : i64, sc.parallel_access}
    %dma_wait3A_51 = arith.constant 10000 : i32
    %dma_wait3A_52 = tpu.memref_slice %arg7[%dma_wait3A_51] : memref<20000xi32, #tpu.memory_space<vmem>> -> memref<10000xi32, #tpu.memory_space<vmem>>
    %dma_wait3A_53 = tpu.memref_slice %arg3[%add3A_19] : memref<320000xi32, #tpu.memory_space<hbm>> -> memref<10000xi32, #tpu.memory_space<hbm>>
    %dma_wait3A_54 = arith.constant 10000 : i32
    %dma_wait3A_55 = tpu.memref_slice %arg7[%dma_wait3A_54] : memref<20000xi32, #tpu.memory_space<vmem>> -> memref<10000xi32, #tpu.memory_space<vmem>>
    %dma_wait3A_56 = tpu.memref_slice %arg3[%add3A_19] : memref<320000xi32, #tpu.memory_space<hbm>> -> memref<10000xi32, #tpu.memory_space<hbm>>
    tpu.wait_dma2 semaphore(%arg13 : memref<!tpu.dma_semaphore, #tpu.memory_space<semaphore_mem>>) src(%dma_wait3A_56 : memref<10000xi32, #tpu.memory_space<hbm>>) dst(%dma_wait3A_55 : memref<10000xi32, #tpu.memory_space<vmem>>)
    %dma_wait3A_57 = arith.constant 10000 : i32
    %dma_wait3A_58 = tpu.memref_slice %arg8[%dma_wait3A_57] : memref<20000xi32, #tpu.memory_space<vmem>> -> memref<10000xi32, #tpu.memory_space<vmem>>
    %dma_wait3A_59 = tpu.memref_slice %arg4[%add3A_21] : memref<320000xi32, #tpu.memory_space<hbm>> -> memref<10000xi32, #tpu.memory_space<hbm>>
    %dma_wait3A_60 = arith.constant 10000 : i32
    %dma_wait3A_61 = tpu.memref_slice %arg8[%dma_wait3A_60] : memref<20000xi32, #tpu.memory_space<vmem>> -> memref<10000xi32, #tpu.memory_space<vmem>>
    %dma_wait3A_62 = tpu.memref_slice %arg4[%add3A_21] : memref<320000xi32, #tpu.memory_space<hbm>> -> memref<10000xi32, #tpu.memory_space<hbm>>
    tpu.wait_dma2 semaphore(%arg14 : memref<!tpu.dma_semaphore, #tpu.memory_space<semaphore_mem>>) src(%dma_wait3A_62 : memref<10000xi32, #tpu.memory_space<hbm>>) dst(%dma_wait3A_61 : memref<10000xi32, #tpu.memory_space<vmem>>)
    %parallel_loop3A_63 = arith.constant 625 : i32
    %parallel_loop3A_64 = arith.constant 1250 : i32
    %parallel_loop3A_65 = arith.constant 1 : i32
    scf.for %parallel_loop3A_66 = %parallel_loop3A_63 to %parallel_loop3A_64 step %parallel_loop3A_65  : i32 {
      %parallel_loop3A_67 = arith.constant 16 : i32
      %parallel_loop3A_68 = arith.muli %parallel_loop3A_66, %parallel_loop3A_67 : i32
      %parallel_loop3A_69 = arith.index_cast %parallel_loop3A_68 : i32 to index
      %parallel_loop3A_70 = tpu.vector_load %arg8[%parallel_loop3A_69] {strides = array<i32>} : memref<20000xi32, #tpu.memory_space<vmem>>, vector<16xi32>,
      %parallel_loop3A_71 = arith.constant 16 : i32
      %parallel_loop3A_72 = arith.muli %parallel_loop3A_66, %parallel_loop3A_71 : i32
      %parallel_loop3A_73 = arith.index_cast %parallel_loop3A_72 : i32 to index
      %parallel_loop3A_74 = tpu.vector_load %arg7[%parallel_loop3A_73] {strides = array<i32>} : memref<20000xi32, #tpu.memory_space<vmem>>, vector<16xi32>,
      %parallel_loop3A_75 = tpu.vector_load_idx %arg6[%parallel_loop3A_70] : memref<10240xf32, #tpu.memory_space<vmem>>[vector<16xi32>], vector<16xf32>,
      tpu.vector_store_idx %arg9[%parallel_loop3A_74], %parallel_loop3A_75 {add = true} : memref<10240xf32, #tpu.memory_space<vmem>>[vector<16xi32>], vector<16xf32>,
    } {sc.loop_unroll_factor = 16 : i64, sc.parallel_access}
    "tpu.region"() ({
      %run_scoped3A = tpu.sem_alloc : memref<!tpu.dma_semaphore, #tpu.memory_space<semaphore_mem>>
      %dma_start3A_66 = arith.constant 0 : i32
      %dma_start3A_67 = tpu.memref_slice %arg5[%add3A, %dma_start3A_66] : memref<16x10240xf32, #tpu.memory_space<hbm>> -> memref<1x10240xf32, #tpu.memory_space<hbm>>
      %dma_start3A_68 = tpu.memref_squeeze %dma_start3A_67 : memref<1x10240xf32, #tpu.memory_space<hbm>> -> memref<10240xf32, #tpu.memory_space<hbm>>
      %dma_start3A_69 = arith.constant 0 : i32
      %dma_start3A_70 = tpu.memref_slice %arg5[%add3A, %dma_start3A_69] : memref<16x10240xf32, #tpu.memory_space<hbm>> -> memref<1x10240xf32, #tpu.memory_space<hbm>>
      %dma_start3A_71 = tpu.memref_squeeze %dma_start3A_70 : memref<1x10240xf32, #tpu.memory_space<hbm>> -> memref<10240xf32, #tpu.memory_space<hbm>>
      tpu.enqueue_dma source(%arg9 : memref<10240xf32, #tpu.memory_space<vmem>>) target(%dma_start3A_71 : memref<10240xf32, #tpu.memory_space<hbm>>) target_semaphore(%run_scoped3A : memref<!tpu.dma_semaphore, #tpu.memory_space<semaphore_mem>>)
      %dma_wait3A_72 = arith.constant 0 : i32
      %dma_wait3A_73 = tpu.memref_slice %arg5[%add3A, %dma_wait3A_72] : memref<16x10240xf32, #tpu.memory_space<hbm>> -> memref<1x10240xf32, #tpu.memory_space<hbm>>
      %dma_wait3A_74 = tpu.memref_squeeze %dma_wait3A_73 : memref<1x10240xf32, #tpu.memory_space<hbm>> -> memref<10240xf32, #tpu.memory_space<hbm>>
      %dma_wait3A_75 = arith.constant 0 : i32
      %dma_wait3A_76 = tpu.memref_slice %arg5[%add3A, %dma_wait3A_75] : memref<16x10240xf32, #tpu.memory_space<hbm>> -> memref<1x10240xf32, #tpu.memory_space<hbm>>
      %dma_wait3A_77 = tpu.memref_squeeze %dma_wait3A_76 : memref<1x10240xf32, #tpu.memory_space<hbm>> -> memref<10240xf32, #tpu.memory_space<hbm>>
      tpu.wait_dma2 semaphore(%run_scoped3A : memref<!tpu.dma_semaphore, #tpu.memory_space<semaphore_mem>>) src(%arg9 : memref<10240xf32, #tpu.memory_space<vmem>>) dst(%dma_wait3A_77 : memref<10240xf32, #tpu.memory_space<hbm>>)
      tpu.yield
    }) : () -> ()
    return
  }
}

module attributes {stable_mosaic.version = 14 : i64} {
  func.func @_mlp_body(%arg0: i32, %arg1: memref<5120x128xf32, #tpu.memory_space<vmem>>, %arg2: memref<128x128xf32, #tpu.memory_space<vmem>>, %arg3: memref<1x128xf32, #tpu.memory_space<vmem>>, %arg4: memref<1x1xf32, #tpu.memory_space<vmem>>, %arg5: memref<128x128xf32, #tpu.memory_space<vmem>>, %arg6: memref<1x1xf32, #tpu.memory_space<vmem>>, %arg7: memref<128x128xf32, #tpu.memory_space<vmem>>, %arg8: memref<1x1xf32, #tpu.memory_space<vmem>>, %arg9: memref<1x128xf32, #tpu.memory_space<vmem>>, %arg10: memref<1x1xf32, #tpu.memory_space<vmem>>, %arg11: memref<2x320000xi32, #tpu.memory_space<vmem>>, %arg12: memref<1x10240xf32, #tpu.memory_space<vmem>>, %arg13: memref<320000xi32, #tpu.memory_space<hbm>>, %arg14: memref<320000xi32, #tpu.memory_space<hbm>>, %arg15: memref<!tpu.dma_semaphore, #tpu.memory_space<semaphore_mem>>, %arg16: memref<!tpu.dma_semaphore, #tpu.memory_space<semaphore_mem>>) attributes {dimension_semantics = [#tpu.dimension_semantics<arbitrary>], iteration_bounds = array<i64: 2>, scalar_prefetch = 0 : i64, scratch_operands = 2 : i64, tpu.core_type = #tpu.core_type<tc>, window_params = [{transform_indices = @transform_0, window_bounds = array<i64: 5120, 128>}, {pipeline_mode = #tpu.pipeline_mode<synchronous>, transform_indices = @transform_1, window_bounds = array<i64: 128, 128>}, {pipeline_mode = #tpu.pipeline_mode<synchronous>, transform_indices = @transform_2, window_bounds = array<i64: 1, 128>}, {pipeline_mode = #tpu.pipeline_mode<synchronous>, transform_indices = @transform_3, window_bounds = array<i64: 1, 1>}, {pipeline_mode = #tpu.pipeline_mode<synchronous>, transform_indices = @transform_4, window_bounds = array<i64: 128, 128>}, {pipeline_mode = #tpu.pipeline_mode<synchronous>, transform_indices = @transform_5, window_bounds = array<i64: 1, 1>}, {pipeline_mode = #tpu.pipeline_mode<synchronous>, transform_indices = @transform_6, window_bounds = array<i64: 128, 128>}, {pipeline_mode = #tpu.pipeline_mode<synchronous>, transform_indices = @transform_7, window_bounds = array<i64: 1, 1>}, {pipeline_mode = #tpu.pipeline_mode<synchronous>, transform_indices = @transform_8, window_bounds = array<i64: 1, 128>}, {pipeline_mode = #tpu.pipeline_mode<synchronous>, transform_indices = @transform_9, window_bounds = array<i64: 1, 1>}, {pipeline_mode = #tpu.pipeline_mode<synchronous>, transform_indices = @transform_10, window_bounds = array<i64: 2, 320000>}, {pipeline_mode = #tpu.pipeline_mode<synchronous>, transform_indices = @transform_11, window_bounds = array<i64: 1, 10240>}, {}, {}]} {
    %eq3A = arith.constant 0 : i32
    %eq3A_0 = arith.cmpi eq, %arg0, %eq3A : i32
    %convert_element_type3A = arith.extui %eq3A_0 : i1 to i32
    %cond3A = arith.constant 0 : i32
    %cond3A_1 = arith.constant 1 : i32
    %cond3A_2 = arith.constant 0 : i32
    %cond3A_3 = arith.cmpi ne, %convert_element_type3A, %cond3A_2 : i32
    scf.if %cond3A_3 {
      %dma_start3A = arith.constant 0 : i32
      %dma_start3A_76 = tpu.memref_slice %arg11[%cond3A, %dma_start3A] : memref<2x320000xi32, #tpu.memory_space<vmem>> -> memref<1x320000xi32, #tpu.memory_space<vmem>>
      %dma_start3A_77 = tpu.memref_squeeze %dma_start3A_76 : memref<1x320000xi32, #tpu.memory_space<vmem>> -> memref<320000xi32, #tpu.memory_space<vmem>>
      tpu.enqueue_dma source(%dma_start3A_77 : memref<320000xi32, #tpu.memory_space<vmem>>) target(%arg13 : memref<320000xi32, #tpu.memory_space<hbm>>) target_semaphore(%arg15 : memref<!tpu.dma_semaphore, #tpu.memory_space<semaphore_mem>>)
      %dma_start3A_78 = arith.constant 0 : i32
      %dma_start3A_79 = tpu.memref_slice %arg11[%cond3A_1, %dma_start3A_78] : memref<2x320000xi32, #tpu.memory_space<vmem>> -> memref<1x320000xi32, #tpu.memory_space<vmem>>
      %dma_start3A_80 = tpu.memref_squeeze %dma_start3A_79 : memref<1x320000xi32, #tpu.memory_space<vmem>> -> memref<320000xi32, #tpu.memory_space<vmem>>
      tpu.enqueue_dma source(%dma_start3A_80 : memref<320000xi32, #tpu.memory_space<vmem>>) target(%arg14 : memref<320000xi32, #tpu.memory_space<hbm>>) target_semaphore(%arg16 : memref<!tpu.dma_semaphore, #tpu.memory_space<semaphore_mem>>)
    } else {
    }
    %get3A = arith.constant 0 : index
    %get3A_4 = arith.constant 0 : index
    %get3A_5 = vector.load %arg1[%get3A, %get3A_4] : memref<5120x128xf32, #tpu.memory_space<vmem>>, vector<5120x128xf32>
    %get3A_6 = arith.constant 0 : index
    %get3A_7 = arith.constant 0 : index
    %get3A_8 = vector.load %arg2[%get3A_6, %get3A_7] : memref<128x128xf32, #tpu.memory_space<vmem>>, vector<128x128xf32>
    %dot_general3A = arith.constant dense<0.000000e+00> : vector<5120x128xf32>
    %dot_general3A_9 = tpu.matmul %get3A_5, %get3A_8, %dot_general3A {dimension_numbers = #tpu.dot_dimension_numbers<[1], [1], [0], [0], [0, 0, 1, 0], [], []>, transpose_lhs_hint = false} : vector<5120x128xf32>, vector<128x128xf32>, vector<5120x128xf32> -> vector<5120x128xf32>
    %get3A_10 = arith.constant 0 : index
    %get3A_11 = arith.constant 0 : index
    %get3A_12 = vector.load %arg3[%get3A_10, %get3A_11] : memref<1x128xf32, #tpu.memory_space<vmem>>, vector<1x128xf32>
    %add3A = vector.broadcast %get3A_12 : vector<1x128xf32> to vector<5120x128xf32>
    %add3A_13 = arith.addf %dot_general3A_9, %add3A : vector<5120x128xf32>
    %ge3A = arith.constant 0.000000e+00 : f32
    %ge3A_14 = vector.broadcast %ge3A : f32 to vector<5120x128xf32>
    %ge3A_15 = arith.cmpf oge, %add3A_13, %ge3A_14 : vector<5120x128xf32>
    %get3A_16 = arith.constant 0 : index
    %get3A_17 = arith.constant 0 : index
    %get3A_18 = vector.load %arg4[%get3A_16, %get3A_17] : memref<1x1xf32, #tpu.memory_space<vmem>>, vector<1x1xf32>
    %get3A_19 = vector.extract %get3A_18[0, 0] : f32 from vector<1x1xf32>
    %mul3A = vector.broadcast %get3A_19 : f32 to vector<5120x128xf32>
    %mul3A_20 = arith.mulf %mul3A, %add3A_13 : vector<5120x128xf32>
    %select_n3A = arith.select %ge3A_15, %add3A_13, %mul3A_20 : vector<5120x128xi1>, vector<5120x128xf32>
    %get3A_21 = arith.constant 0 : index
    %get3A_22 = arith.constant 0 : index
    %get3A_23 = vector.load %arg5[%get3A_21, %get3A_22] : memref<128x128xf32, #tpu.memory_space<vmem>>, vector<128x128xf32>
    %dot_general3A_24 = arith.constant dense<0.000000e+00> : vector<5120x128xf32>
    %dot_general3A_25 = tpu.matmul %select_n3A, %get3A_23, %dot_general3A_24 {dimension_numbers = #tpu.dot_dimension_numbers<[1], [1], [0], [0], [0, 0, 1, 0], [], []>, transpose_lhs_hint = false} : vector<5120x128xf32>, vector<128x128xf32>, vector<5120x128xf32> -> vector<5120x128xf32>
    %ge3A_26 = arith.constant 0.000000e+00 : f32
    %ge3A_27 = vector.broadcast %ge3A_26 : f32 to vector<5120x128xf32>
    %ge3A_28 = arith.cmpf oge, %dot_general3A_25, %ge3A_27 : vector<5120x128xf32>
    %get3A_29 = arith.constant 0 : index
    %get3A_30 = arith.constant 0 : index
    %get3A_31 = vector.load %arg6[%get3A_29, %get3A_30] : memref<1x1xf32, #tpu.memory_space<vmem>>, vector<1x1xf32>
    %get3A_32 = vector.extract %get3A_31[0, 0] : f32 from vector<1x1xf32>
    %mul3A_33 = vector.broadcast %get3A_32 : f32 to vector<5120x128xf32>
    %mul3A_34 = arith.mulf %mul3A_33, %dot_general3A_25 : vector<5120x128xf32>
    %select_n3A_35 = arith.select %ge3A_28, %dot_general3A_25, %mul3A_34 : vector<5120x128xi1>, vector<5120x128xf32>
    %get3A_36 = arith.constant 0 : index
    %get3A_37 = arith.constant 0 : index
    %get3A_38 = vector.load %arg7[%get3A_36, %get3A_37] : memref<128x128xf32, #tpu.memory_space<vmem>>, vector<128x128xf32>
    %dot_general3A_39 = arith.constant dense<0.000000e+00> : vector<5120x128xf32>
    %dot_general3A_40 = tpu.matmul %select_n3A_35, %get3A_38, %dot_general3A_39 {dimension_numbers = #tpu.dot_dimension_numbers<[1], [1], [0], [0], [0, 0, 1, 0], [], []>, transpose_lhs_hint = false} : vector<5120x128xf32>, vector<128x128xf32>, vector<5120x128xf32> -> vector<5120x128xf32>
    %ge3A_41 = arith.constant 0.000000e+00 : f32
    %ge3A_42 = vector.broadcast %ge3A_41 : f32 to vector<5120x128xf32>
    %ge3A_43 = arith.cmpf oge, %dot_general3A_40, %ge3A_42 : vector<5120x128xf32>
    %get3A_44 = arith.constant 0 : index
    %get3A_45 = arith.constant 0 : index
    %get3A_46 = vector.load %arg8[%get3A_44, %get3A_45] : memref<1x1xf32, #tpu.memory_space<vmem>>, vector<1x1xf32>
    %get3A_47 = vector.extract %get3A_46[0, 0] : f32 from vector<1x1xf32>
    %mul3A_48 = vector.broadcast %get3A_47 : f32 to vector<5120x128xf32>
    %mul3A_49 = arith.mulf %mul3A_48, %dot_general3A_40 : vector<5120x128xf32>
    %select_n3A_50 = arith.select %ge3A_43, %dot_general3A_40, %mul3A_49 : vector<5120x128xi1>, vector<5120x128xf32>
    %get3A_51 = arith.constant 0 : index
    %get3A_52 = arith.constant 0 : index
    %get3A_53 = vector.load %arg9[%get3A_51, %get3A_52] : memref<1x128xf32, #tpu.memory_space<vmem>>, vector<1x128xf32>
    %dot_general3A_54 = arith.constant dense<0.000000e+00> : vector<1x5120xf32>
    %dot_general3A_55 = tpu.matmul %get3A_53, %select_n3A_50, %dot_general3A_54 {dimension_numbers = #tpu.dot_dimension_numbers<[1], [1], [0], [0], [0, 0, 1, 0], [], []>, transpose_lhs_hint = false} : vector<1x128xf32>, vector<5120x128xf32>, vector<1x5120xf32> -> vector<1x5120xf32>
    %get3A_56 = arith.constant 0 : index
    %get3A_57 = arith.constant 0 : index
    %get3A_58 = vector.load %arg10[%get3A_56, %get3A_57] : memref<1x1xf32, #tpu.memory_space<vmem>>, vector<1x1xf32>
    %get3A_59 = vector.extract %get3A_58[0, 0] : f32 from vector<1x1xf32>
    %add3A_60 = vector.broadcast %get3A_59 : f32 to vector<1x5120xf32>
    %add3A_61 = arith.addf %dot_general3A_55, %add3A_60 : vector<1x5120xf32>
    %mul3A_62 = arith.constant 2.500000e-01 : f32
    %mul3A_63 = vector.broadcast %mul3A_62 : f32 to vector<1x5120xf32>
    %mul3A_64 = arith.mulf %mul3A_63, %add3A_61 : vector<1x5120xf32>
    %mul3A_65 = arith.constant 5120 : i32
    %mul3A_66 = arith.muli %arg0, %mul3A_65 : i32
    %swap3A = arith.constant 0 : index
    %swap3A_67 = arith.index_cast %mul3A_66 : i32 to index
    %swap3A_68 = vector.load %arg12[%swap3A, %swap3A_67] : memref<1x10240xf32, #tpu.memory_space<vmem>>, vector<1x5120xf32>
    tpu.vector_store %arg12[%swap3A, %swap3A_67], %mul3A_64 {strides = array<i32>} : memref<1x10240xf32, #tpu.memory_space<vmem>>, vector<1x5120xf32>,
    %eq3A_69 = arith.constant 1 : i32
    %eq3A_70 = arith.cmpi eq, %arg0, %eq3A_69 : i32
    %convert_element_type3A_71 = arith.extui %eq3A_70 : i1 to i32
    %cond3A_72 = arith.constant 0 : i32
    %cond3A_73 = arith.constant 1 : i32
    %cond3A_74 = arith.constant 0 : i32
    %cond3A_75 = arith.cmpi ne, %convert_element_type3A_71, %cond3A_74 : i32
    scf.if %cond3A_75 {
      %dma_wait3A = arith.constant 0 : i32
      %dma_wait3A_76 = tpu.memref_slice %arg11[%cond3A_72, %dma_wait3A] : memref<2x320000xi32, #tpu.memory_space<vmem>> -> memref<1x320000xi32, #tpu.memory_space<vmem>>
      %dma_wait3A_77 = tpu.memref_squeeze %dma_wait3A_76 : memref<1x320000xi32, #tpu.memory_space<vmem>> -> memref<320000xi32, #tpu.memory_space<vmem>>
      tpu.wait_dma2 semaphore(%arg15 : memref<!tpu.dma_semaphore, #tpu.memory_space<semaphore_mem>>) src(%dma_wait3A_77 : memref<320000xi32, #tpu.memory_space<vmem>>) dst(%arg13 : memref<320000xi32, #tpu.memory_space<hbm>>)
      %dma_wait3A_78 = arith.constant 0 : i32
      %dma_wait3A_79 = tpu.memref_slice %arg11[%cond3A_73, %dma_wait3A_78] : memref<2x320000xi32, #tpu.memory_space<vmem>> -> memref<1x320000xi32, #tpu.memory_space<vmem>>
      %dma_wait3A_80 = tpu.memref_squeeze %dma_wait3A_79 : memref<1x320000xi32, #tpu.memory_space<vmem>> -> memref<320000xi32, #tpu.memory_space<vmem>>
      tpu.wait_dma2 semaphore(%arg16 : memref<!tpu.dma_semaphore, #tpu.memory_space<semaphore_mem>>) src(%dma_wait3A_80 : memref<320000xi32, #tpu.memory_space<vmem>>) dst(%arg14 : memref<320000xi32, #tpu.memory_space<hbm>>)
    } else {
    }
    return
  }
  func.func @transform_0(%arg0: i32) -> (i32, i32) {
    %c0_i32 = arith.constant 0 : i32
    %c0_i32_0 = arith.constant 0 : i32
    return %arg0, %c0_i32 : i32, i32
  }
  func.func @transform_1(%arg0: i32) -> (i32, i32) {
    %c0_i32 = arith.constant 0 : i32
    %c0_i32_0 = arith.constant 0 : i32
    %c0_i32_1 = arith.constant 0 : i32
    return %c0_i32, %c0_i32_0 : i32, i32
  }
  func.func @transform_2(%arg0: i32) -> (i32, i32) {
    %c0_i32 = arith.constant 0 : i32
    %c0_i32_0 = arith.constant 0 : i32
    %c0_i32_1 = arith.constant 0 : i32
    return %c0_i32, %c0_i32_0 : i32, i32
  }
  func.func @transform_3(%arg0: i32) -> (i32, i32) {
    %c0_i32 = arith.constant 0 : i32
    %c0_i32_0 = arith.constant 0 : i32
    %c0_i32_1 = arith.constant 0 : i32
    return %c0_i32, %c0_i32_0 : i32, i32
  }
  func.func @transform_4(%arg0: i32) -> (i32, i32) {
    %c0_i32 = arith.constant 0 : i32
    %c0_i32_0 = arith.constant 0 : i32
    %c0_i32_1 = arith.constant 0 : i32
    return %c0_i32, %c0_i32_0 : i32, i32
  }
  func.func @transform_5(%arg0: i32) -> (i32, i32) {
    %c0_i32 = arith.constant 0 : i32
    %c0_i32_0 = arith.constant 0 : i32
    %c0_i32_1 = arith.constant 0 : i32
    return %c0_i32, %c0_i32_0 : i32, i32
  }
  func.func @transform_6(%arg0: i32) -> (i32, i32) {
    %c0_i32 = arith.constant 0 : i32
    %c0_i32_0 = arith.constant 0 : i32
    %c0_i32_1 = arith.constant 0 : i32
    return %c0_i32, %c0_i32_0 : i32, i32
  }
  func.func @transform_7(%arg0: i32) -> (i32, i32) {
    %c0_i32 = arith.constant 0 : i32
    %c0_i32_0 = arith.constant 0 : i32
    %c0_i32_1 = arith.constant 0 : i32
    return %c0_i32, %c0_i32_0 : i32, i32
  }
  func.func @transform_8(%arg0: i32) -> (i32, i32) {
    %c0_i32 = arith.constant 0 : i32
    %c0_i32_0 = arith.constant 0 : i32
    %c0_i32_1 = arith.constant 0 : i32
    return %c0_i32, %c0_i32_0 : i32, i32
  }
  func.func @transform_9(%arg0: i32) -> (i32, i32) {
    %c0_i32 = arith.constant 0 : i32
    %c0_i32_0 = arith.constant 0 : i32
    %c0_i32_1 = arith.constant 0 : i32
    return %c0_i32, %c0_i32_0 : i32, i32
  }
  func.func @transform_10(%arg0: i32) -> (i32, i32) {
    %c0_i32 = arith.constant 0 : i32
    %c0_i32_0 = arith.constant 0 : i32
    %c0_i32_1 = arith.constant 0 : i32
    return %c0_i32, %c0_i32_0 : i32, i32
  }
  func.func @transform_11(%arg0: i32) -> (i32, i32) {
    %c0_i32 = arith.constant 0 : i32
    %c0_i32_0 = arith.constant 0 : i32
    %c0_i32_1 = arith.constant 0 : i32
    return %c0_i32, %c0_i32_0 : i32, i32
  }
}

module attributes {stable_mosaic.version = 14 : i64} {
  func.func @_combine_body(%arg0: i32, %arg1: memref<16x10240xf32, #tpu.memory_space<vmem>>, %arg2: memref<1x10240xf32, #tpu.memory_space<vmem>>, %arg3: memref<1x10000xf32, #tpu.memory_space<vmem>>) attributes {dimension_semantics = [#tpu.dimension_semantics<arbitrary>], iteration_bounds = array<i64: 5>, scalar_prefetch = 0 : i64, scratch_operands = 0 : i64, tpu.core_type = #tpu.core_type<tc>, window_params = [{pipeline_mode = #tpu.pipeline_mode<synchronous>, transform_indices = @transform_0, window_bounds = array<i64: 16, 10240>}, {pipeline_mode = #tpu.pipeline_mode<synchronous>, transform_indices = @transform_1, window_bounds = array<i64: 1, 10240>}, {pipeline_mode = #tpu.pipeline_mode<synchronous>, transform_indices = @transform_2, window_bounds = array<i64: 1, 10000>}]} {
    %mul3A = arith.constant 2048 : i32
    %mul3A_0 = arith.muli %arg0, %mul3A : i32
    %get3A = arith.constant 0 : index
    %get3A_1 = arith.index_cast %mul3A_0 : i32 to index
    %get3A_2 = vector.load %arg2[%get3A, %get3A_1] : memref<1x10240xf32, #tpu.memory_space<vmem>>, vector<1x2048xf32>
    %mul3A_3 = arith.constant 4.000000e+00 : f32
    %mul3A_4 = vector.broadcast %mul3A_3 : f32 to vector<1x2048xf32>
    %mul3A_5 = arith.mulf %mul3A_4, %get3A_2 : vector<1x2048xf32>
    %get3A_6 = arith.constant 0 : index
    %get3A_7 = arith.index_cast %mul3A_0 : i32 to index
    %get3A_8 = vector.load %arg1[%get3A_6, %get3A_7] : memref<16x10240xf32, #tpu.memory_space<vmem>>, vector<16x2048xf32>
    %reduce_sum3A = arith.constant dense<0.000000e+00> : vector<2048xf32>
    %reduce_sum3A_9 = vector.multi_reduction <add>, %get3A_8, %reduce_sum3A [0] : vector<16x2048xf32> to vector<2048xf32>
    %broadcast_in_dim3A = vector.shape_cast %reduce_sum3A_9 : vector<2048xf32> to vector<1x2048xf32>
    %add3A = arith.addf %mul3A_5, %broadcast_in_dim3A : vector<1x2048xf32>
    %lt3A = arith.constant 4 : i32
    %lt3A_10 = arith.cmpi slt, %arg0, %lt3A : i32
    %convert_element_type3A = arith.extui %lt3A_10 : i1 to i32
    %cond3A = arith.constant 0 : i32
    %cond3A_11 = arith.cmpi ne, %convert_element_type3A, %cond3A : i32
    scf.if %cond3A_11 {
      %mul3A_16 = arith.constant 2048 : i32
      %mul3A_17 = arith.muli %arg0, %mul3A_16 : i32
      %swap3A = arith.constant 0 : index
      %swap3A_18 = arith.index_cast %mul3A_17 : i32 to index
      %swap3A_19 = vector.load %arg3[%swap3A, %swap3A_18] : memref<1x10000xf32, #tpu.memory_space<vmem>>, vector<1x2048xf32>
      tpu.vector_store %arg3[%swap3A, %swap3A_18], %add3A {strides = array<i32>} : memref<1x10000xf32, #tpu.memory_space<vmem>>, vector<1x2048xf32>,
    } else {
    }
    %eq3A = arith.constant 4 : i32
    %eq3A_12 = arith.cmpi eq, %arg0, %eq3A : i32
    %convert_element_type3A_13 = arith.extui %eq3A_12 : i1 to i32
    %cond3A_14 = arith.constant 0 : i32
    %cond3A_15 = arith.cmpi ne, %convert_element_type3A_13, %cond3A_14 : i32
    scf.if %cond3A_15 {
      %slice3A = vector.extract_strided_slice %add3A {offsets = [0, 0], sizes = [1, 1808], strides = [1, 1]} : vector<1x2048xf32> to vector<1x1808xf32>
      %mul3A_16 = arith.constant 2048 : i32
      %mul3A_17 = arith.muli %arg0, %mul3A_16 : i32
      %swap3A = arith.constant 0 : index
      %swap3A_18 = arith.index_cast %mul3A_17 : i32 to index
      %swap3A_19 = vector.load %arg3[%swap3A, %swap3A_18] : memref<1x10000xf32, #tpu.memory_space<vmem>>, vector<1x1808xf32>
      tpu.vector_store %arg3[%swap3A, %swap3A_18], %slice3A {strides = array<i32>} : memref<1x10000xf32, #tpu.memory_space<vmem>>, vector<1x1808xf32>,
    } else {
    }
    return
  }
  func.func @transform_0(%arg0: i32) -> (i32, i32) {
    %c0_i32 = arith.constant 0 : i32
    %c0_i32_0 = arith.constant 0 : i32
    %c0_i32_1 = arith.constant 0 : i32
    return %c0_i32, %c0_i32_0 : i32, i32
  }
  func.func @transform_1(%arg0: i32) -> (i32, i32) {
    %c0_i32 = arith.constant 0 : i32
    %c0_i32_0 = arith.constant 0 : i32
    %c0_i32_1 = arith.constant 0 : i32
    return %c0_i32, %c0_i32_0 : i32, i32
  }
  func.func @transform_2(%arg0: i32) -> (i32, i32) {
    %c0_i32 = arith.constant 0 : i32
    %c0_i32_0 = arith.constant 0 : i32
    %c0_i32_1 = arith.constant 0 : i32
    return %c0_i32, %c0_i32_0 : i32, i32
  }
}

</mosaic_0001>

<sc_bundles>
// kernel: kernel.5.cloned.1.call-start
scs
__scs_entry_jumppad:
0x0: {  	(pc) =	sbr.rel $0x88, $3  }
0x1: {  	(tag) =	ssettag $0x0;
	lr =	simm.s32 $0x1  }
0x2: {  	[smem:$0x3F96] =	sst lr;
	_ =	strace $0xD0000000  }
0x3: {  	_ = 	snop  }
0x4: {  	_ = 	snop  }
0x5: {  	_ = 	snop  }
0x6: {  	_ = 	snop  }
0x7: {  	_ = 	snop  }
__scs_overlays_trampoline_lowered:
0x8: {  	[smem:$0x3FA5] =	sst s0  }
0x9: {  	[smem:$0x3FA6] =	sst s1  }
0xa: {  	[smem:$0x3FA7] =	sst s2  }
0xb: {  	[smem:$0x3FA8] =	sst s3  }
0xc: {  	[smem:$0x3FA9] =	sst s4  }
0xd: {  	[smem:$0x3FAA] =	sst s5  }
0xe: {  	[smem:$0x3FAB] =	sst s6  }
0xf: {  	[smem:$0x3FAC] =	sst s7  }
0x10: {  	[smem:$0x3FAD] =	sst s8  }
0x11: {  	[smem:$0x3FAE] =	sst s9;
	s0 =	simm.s32 @!p0 $0x0  }
0x12: {  	s1 =	sld [smem:$0x3F94];
	s0 =	simm.s32 @p0 $0x1  }
0x13: {  	[smem:$0x3FAF] =	sst s0;
	s0 =	simm.s32 @!p1 $0x0  }
0x14: {  	s2 =	sld [smem:$0x3F93];
	s0 =	simm.s32 @p1 $0x1  }
0x15: {  	[smem:$0x3FB0] =	sst s0;
	s0 =	simm.s32 @!p2 $0x0  }
0x16: {  	s3 =	sld [smem:$0x3FDB];
	s0 =	simm.s32 @p2 $0x1  }
0x17: {  	s4 =	simm.s32 $0x1BF5;
	[smem:$0x3FB2] =	sst s0  }
0x18: {  	s0 =	sld [smem:$0x3F95];
	_ =	swait.ge [sflag:s4], $0x0  }
0x19: {  	s7 =	sld [smem:$0x3F96]  }
0x1a: {  	s8 =	sadd.s32 $0xFFFFE003, lr  }
0x1b: {  	s9 =	sadd.s32 $0xFFFFFEF7, lr;
	s5 =	simm.s32 $0xFFFFFFFF;
	p2 =	slt.u32 s8, $0xFFFFF086  }
0x1c: {  	p1 =	slt.u32 s9, $0xF7A;
	s5 =	simm.s32 @!p2 $0x0  }
0x1d: {  	s5 =	simm.s32 @p1 $0x1;
	p0 =	seq.s32 s7, s2  }
0x1e: {  	s7 =	smul.u32 @!p0 $0xF7A, s2;
	p2 =	seq.s32 @!p0 s5, $0x0  }
0x1f: {  	s9 =	smul.u32 $0xF7A, s1;
	s8 =	simm.s32 @!p0 $0x1BF5;
	p2 =	por !p2, p0  }
0x20: {  	[sflag:s8] =	ssyncset.s32 @!p0 $0xFFFFF086;
	s6 =	sadd.s32 @!p0 s3, s7;
	s7 =	simm.s32 @!p0 $0x108  }
0x21: {  	s3 =	sadd.s32 s3, s9;
	s6 =	sadd.s32 @!p0 $0x88, s6;
	s7 =	simm.s32 @p2 $0x1082  }
0x22: {  	[simem:s7], [sflag:s8] =	dma.local @!p0 [hbm:s6], $0xF7A  }
0x23: {  	s9 =	sor.u32 $0xD0000000, s2;
	s6 =	simm.s32 $0x108;
	_ =	swait.ge @!p0 [sflag:s8], $0x0  }
0x24: {  	s3 =	sadd.s32 $0x88, s3;
	s6 =	simm.s32 @!p1 $0x1082;
	[sflag:s4] =	ssyncset.s32 $0xFFFFF086  }
0x25: {  	[simem:s6], [sflag:s4] =	dma.local [hbm:s3], $0xF7A  }
0x26: {  	[smem:$0x3F96] =	sst s1;
	(tag) =	ssettag s2;
	_ =	strace s9  }
0x27: {  	s1 =	sld [smem:$0x3FA6]  }
0x28: {  	s2 =	sld [smem:$0x3FA7]  }
0x29: {  	s4 =	sld [smem:$0x3FA9]  }
0x2a: {  	p0 =	seq.s32 s5, $0x0;
	s5 =	sld [smem:$0x3FAA]  }
0x2b: {  	s6 =	sld [smem:$0x3FAB]  }
0x2c: {  	s7 =	sld [smem:$0x3FAC]  }
0x2d: {  	s3 =	simm.s32 $0x108;
	s8 =	sld [smem:$0x3FAD]  }
0x2e: {  	s3 =	simm.s32 @!p0 $0x1082;
	s9 =	sld [smem:$0x3FAE]  }
0x2f: {  	lr =	sadd.s32 s0, s3;
	s0 =	sld [smem:$0x3FA5]  }
0x30: {  	s3 =	sld [smem:$0x3FA8]  }
0x31: {  	[smem:$0x3FB1] =	sst s10  }
0x32: {  	s10 =	sld [smem:$0x3FAF];
	_ =	sdelay $0x3  }
0x33: {  	p0 =	seq.s32 s10, $0x1;
	s10 =	sld [smem:$0x3FB1];
	_ =	sdelay $0x3  }
0x34: {  	[smem:$0x3FB1] =	sst s10  }
0x35: {  	s10 =	sld [smem:$0x3FB0];
	_ =	sdelay $0x3  }
0x36: {  	p1 =	seq.s32 s10, $0x1;
	s10 =	sld [smem:$0x3FB1];
	_ =	sdelay $0x3  }
0x37: {  	[smem:$0x3FB1] =	sst s10  }
0x38: {  	s10 =	sld [smem:$0x3FB2]  }
0x39: {  	_ = 	snop;
	(pc) =	sbr.ind lr, $3  }
0x3a: {  	_ = 	snop  }
0x3b: {  	_ = 	snop  }
0x3c: {  	p2 =	seq.s32 s10, $0x1;
	s10 =	sld [smem:$0x3FB1]  }
0x3d: {  	_ =	shalt  }
0x3e: {  	_ =	shalt  }
0x3f: {  	_ =	shalt  }
0x40: {  	_ =	shalt  }
0x41: {  	_ =	shalt  }
0x42: {  	_ =	shalt  }
0x43: {  	_ =	shalt  }
0x44: {  	_ =	shalt  }
0x45: {  	_ =	shalt  }
0x46: {  	_ =	shalt  }
0x47: {  	_ =	shalt  }
0x48: {  	_ =	shalt  }
0x49: {  	_ =	shalt  }
0x4a: {  	_ =	shalt  }
0x4b: {  	_ =	shalt  }
0x4c: {  	_ =	shalt  }
0x4d: {  	_ =	shalt  }
0x4e: {  	_ =	shalt  }
0x4f: {  	_ =	shalt  }
0x50: {  	_ =	shalt  }
0x51: {  	_ =	shalt  }
0x52: {  	_ =	shalt  }
0x53: {  	_ =	shalt  }
0x54: {  	_ =	shalt  }
0x55: {  	_ =	shalt  }
0x56: {  	_ =	shalt  }
0x57: {  	_ =	shalt  }
0x58: {  	_ =	shalt  }
0x59: {  	_ =	shalt  }
0x5a: {  	_ =	shalt  }
0x5b: {  	_ =	shalt  }
0x5c: {  	_ =	shalt  }
0x5d: {  	_ =	shalt  }
0x5e: {  	_ =	shalt  }
0x5f: {  	_ =	shalt  }
0x60: {  	_ =	shalt  }
0x61: {  	_ =	shalt  }
0x62: {  	_ =	shalt  }
0x63: {  	_ =	shalt  }
0x64: {  	_ =	shalt  }
0x65: {  	_ =	shalt  }
0x66: {  	_ =	shalt  }
0x67: {  	_ =	shalt  }
0x68: {  	_ =	shalt  }
0x69: {  	_ =	shalt  }
0x6a: {  	_ =	shalt  }
0x6b: {  	_ =	shalt  }
0x6c: {  	_ =	shalt  }
0x6d: {  	_ =	shalt  }
0x6e: {  	_ =	shalt  }
0x6f: {  	_ =	shalt  }
0x70: {  	_ =	shalt  }
0x71: {  	_ =	shalt  }
0x72: {  	_ =	shalt  }
0x73: {  	_ =	shalt  }
0x74: {  	_ =	shalt  }
0x75: {  	_ =	shalt  }
0x76: {  	_ =	shalt  }
0x77: {  	_ =	shalt  }
0x78: {  	_ =	shalt  }
0x79: {  	_ =	shalt  }
0x7a: {  	_ =	shalt  }
0x7b: {  	_ =	shalt  }
0x7c: {  	_ =	shalt  }
0x7d: {  	_ =	shalt  }
0x7e: {  	_ =	shalt  }
0x7f: {  	_ =	shalt  }
0x80: {  	_ =	shalt  }
0x81: {  	_ =	shalt  }
0x82: {  	_ =	shalt  }
0x83: {  	_ =	shalt  }
0x84: {  	_ =	shalt  }
0x85: {  	_ =	shalt  }
0x86: {  	_ =	shalt  }
0x87: {  	_ =	shalt  }
.Lfunc_end0:
.L_simem_size_0:
called_computation_lowered:
.L_overlay_start_0:
0x88: {  	s0 =	sld [smem:$0x3FD9]  }
0x89: {  	s1 =	sld [smem:$0x3FFE];
	_ =	sdelay $0x3  }
0x8a: {  	s0 =	sadd.s32 s1, s0  }
0x8b: {  	[smem:$0x3FBD] =	sst s0  }
0x8c: {  	_ = 	snop  }
0x8d: {  	(tm) =	ssettm $0x1  }
0x8e: {  	s15 =	sld [smem:$0x3FFB];
	_ =	sdelay $0x3  }
0x8f: {  	_ =	strace s15  }
0x90: {  	s0 =	sld [smem:$0x3FFC];
	_ =	sdelay $0x3  }
0x91: {  	_ =	strace s0  }
0x92: {  	s0 =	sld [smem:$0x3FFD];
	_ =	sdelay $0x3  }
0x93: {  	_ =	strace s0  }
0x94: {  	_ =	strace $0x8FFFFFFF  }
0x95: {  	s16 =	sld [smem:$0x3FDB];
	_ =	sdelay $0x1  }
0x96: {  	s17 =	simm.s32 $_scs_section_size  }
0x97: {  	s2 =	simm.s32 $_size__tile_overlayer_lowered;
	s3 =	simm.s32 $_tile_overlayer_lowered  }
0x98: {  	s20 =	simm.s32 $0x1BFF;
	s19 =	sshll.u32 s3, $0x1;
	s0 =	sadd.s32 s17, s16  }
0x99: {  	s4 =	simm.s32 $0x0;
	s18 =	sshll.u32 s2, $0x1;
	s2 =	sadd.s32 s19, s0  }
0x9a: {  	[timem:s4], [sflag:s20] =	dma.local [hbm:s2], s18  }
0x9b: {  	_ =	swait.ge [sflag:s20], s18  }
0x9c: {  	s1 =	ssub.s32 $0x0, s18;
	[sflag:s20] =	ssyncset.done $0x0  }
0x9d: {  	[sflag:s20] =	ssyncadd.s32 s1;
	_ =	sdelay $0x1  }
0x9e: {  	s21 =	simm.s32 $0x1B8B  }
0x9f: {  	_ =	swait.ge [sflag:s21], $0x1  }
0xa0: {  	[sflag:s21] =	ssyncset.done $0x0  }
0xa1: {  	s23 =	simm.s32 $0x1B8E;
	s22 =	sld [smem:$0x3FFE];
	[sflag:s21] =	ssyncadd.s32 $0xFFFFFFFF  }
0xa2: {  	s24 =	simm.s32 $execute0_lowered;
	[smem:$0x3FD2] =	sst s23  }
0xa3: {  	s2 =	sshll.u32 s24, $0x1;
	_ =	strace $0x80000046;
	[dreg:$0x1] =	wrdreg $0xFFFFFFFF  }
0xa4: {  	s25 =	simm.s32 $_size_execute0_lowered;
	s0 =	sadd.s32 s0, s2;
	[dreg:$0x0] =	wrdreg $0x0  }
0xa5: {  	s2 =	sshll.u32 s25, $0x1;
	[dreg:$0x2] =	wrdreg s0  }
0xa6: {  	[dreg:$0x3] =	wrdreg s2  }
0xa7: {  	[dreg:$0x4] =	wrdreg $0xC0  }
0xa8: {  	_ =	task [dreg:s4], $0x5FFFF  }
0xa9: {  	[dreg:$0x1] =	wrdreg $0xFFFFFFFF  }
0xaa: {  	[dreg:$0x0] =	wrdreg $0x60  }
0xab: {  	[dreg:$0x2] =	wrdreg s22  }
0xac: {  	[dreg:$0x3] =	wrdreg $0x9  }
0xad: {  	_ =	task.clear_ibuf [dreg:s4], $0x4FFFF;
	_ =	strace $0x90000046  }
0xae: {  	s26 =	simm.s32 $0x9;
	_ =	strace $0x80000048  }
0xaf: {  	_ =	swait.ge [sflag:s26], $0x1  }
0xb0: {  	[sflag:s26] =	ssyncadd.s32 $0xFFFFFFFF  }
0xb1: {  	_ =	strace $0x90000048  }
0xb2: {  	_ =	sfence  }
0xb3: {  	s28 =	sld [smem:$0x0];
	_ =	sdelay $0x1  }
0xb4: {  	s29 =	srdreg.scid  }
0xb5: {  	s30 =	sshll.u32 s29, $0xD;
	s31 =	sshrl.u32 s29, $0x2  }
0xb6: {  	s1 =	sand.u32 $0x1, s29;
	s2 =	sand.u32 $0x4000, s30;
	s0 =	sadd.s32 s31, s28  }
0xb7: {  	s1 =	sor.u32 s2, s1;
	s0 =	sshll.u32 s0, $0x11  }
0xb8: {  	s0 =	sor.u32 s0, s1  }
0xb9: {  	s0 =	sadd.s32 $0x8F2B, s0  }
0xba: {  	[sflag:s0] =	ssyncadd.remote.s32 $0x1  }
0xbb: {  	_ =	sfence.sel $0xFFFF  }
0xbc: {  	[dreg:$0x0] =	wrdreg $0xFFFFFFFF;
	(pc) =	sbr.abs _section_cstart, $3  }
0xbd: {  	[dreg:$0x1] =	wrdreg $0xFFFFFFFF  }
0xbe: {  	_ =	task.clear_ibuf [dreg:s4], $0x2FFFF;
	_ =	strace $0x9FFFFFFF  }
0xbf: {  	(tm) =	ssettm $0x7FFFFFFF  }
tec
execute0_lowered:
.L_overlay_start_1:
0x0: {  	(tag) =	ssettag $0x1  }
0x1: {  	s2 =	rddreg [dreg:$0x0];
	s1 =	stileid.u32  }
0x2: {  	s0 =	rddreg [dreg:$0x1];
	s3 =	simm.s32 $0x0;
	s4 =	smul.u32 $0x4E20, s1  }
0x3: {  	[smem:$0x7FF] =	sst s3;
	s5 =	sadd.s32 $0x15A00, s2  }
0x4: {  	s6 =	sadd.s32 $0x1E00, s2;
	_ =	strace $0x80000047;
	s4 =	sshrl.u32 s4, $0x3  }
0x5: {  	[tilespmem:s3], [sflag:$0x1] =	stream.linear.gather [hbm4b:s5+s3], $0x2800, $0x38;
	[tilespmem:$0xED00] =	vst v63  }
0x6: {  	s8 =	simm.s32 $0x2800;
	s26 =	sadd.s32 $0xBC00, s2;
	s7 =	sadd.s32 s6, s4  }
0x7: {  	[tilespmem:s8], [sflag:$0x2] =	stream.linear.gather [hbm4b:s7+s3], $0x2710, $0x38;
	[tilespmem:$0xED00] =	vst v63  }
0x8: {  	s29 =	simm.s32 $0x7680;
	s28 =	sadd.s32 s26, s4;
	s4 =	sadd.s32 $0x4E2, s4  }
0x9: {  	[tilespmem:s29], [sflag:$0x3] =	stream.linear.gather [hbm4b:s28+s3], $0x2710, $0x38;
	[tilespmem:$0xED00] =	vst v63  }
0xa: {  	s30 =	simm.s32 $0x4F10;
	s6 =	sadd.s32 s6, s4  }
0xb: {  	[tilespmem:s30], [sflag:$0x4] =	stream.linear.gather [hbm4b:s6+s3], $0x2710, $0x38;
	[tilespmem:$0xED00] =	vst v63  }
0xc: {  	s31 =	simm.s32 $0x9D90;
	s4 =	sadd.s32 s26, s4  }
0xd: {  	[tilespmem:s31], [sflag:$0x5] =	stream.linear.gather [hbm4b:s4+s3], $0x2710, $0x38;
	[tilespmem:$0xED00] =	vst v63  }
0xe: {  	v0 =	vimm.f32 $0.0e+00;
	s3 =	simm.s32 $0xC580  }
0xf: {  	[tilespmem:s3+$0xFFFFFF80] =	vst v0  }
0x10: {  	[tilespmem:s3+$0x70] =	vst v0  }
0x11: {  	[tilespmem:s3+$0x60] =	vst v0  }
0x12: {  	[tilespmem:s3+$0x50] =	vst v0  }
0x13: {  	[tilespmem:s3+$0x40] =	vst v0  }
0x14: {  	[tilespmem:s3+$0x30] =	vst v0  }
0x15: {  	[tilespmem:s3+$0x20] =	vst v0  }
0x16: {  	[tilespmem:s3+$0x10] =	vst v0  }
0x17: {  	[tilespmem:s3+$0x0] =	vst v0  }
0x18: {  	[tilespmem:s3+$0xFFFFFFF0] =	vst v0  }
0x19: {  	[tilespmem:s3+$0xFFFFFFE0] =	vst v0  }
0x1a: {  	[tilespmem:s3+$0xFFFFFFD0] =	vst v0  }
0x1b: {  	[tilespmem:s3+$0xFFFFFFC0] =	vst v0  }
0x1c: {  	[tilespmem:s3+$0xFFFFFFB0] =	vst v0  }
0x1d: {  	s2 =	sadd.s32 $0x16000, s2;
	s4 =	simm.s32 $0x0;
	[tilespmem:s3+$0xFFFFFFA0] =	vst v0  }
.LBB2_1:
0x1e: {  	s4 =	sadd.s32 $0x10, s4;
	[tilespmem:s3+$0xFFFFFF90] =	vst v0;
	s3 =	sadd.s32 $0x100, s3  }
0x1f: {  	[tilespmem:s3+$0xFFFFFF80] =	vst v0;
	p0 =	slt.u32 s4, $0x270  }
0x20: {  	[tilespmem:s3+$0x70] =	vst v0  }
0x21: {  	[tilespmem:s3+$0x60] =	vst v0  }
0x22: {  	[tilespmem:s3+$0x50] =	vst v0  }
0x23: {  	[tilespmem:s3+$0x40] =	vst v0  }
0x24: {  	[tilespmem:s3+$0x30] =	vst v0  }
0x25: {  	[tilespmem:s3+$0x20] =	vst v0  }
0x26: {  	[tilespmem:s3+$0x10] =	vst v0  }
0x27: {  	[tilespmem:s3+$0x0] =	vst v0  }
0x28: {  	[tilespmem:s3+$0xFFFFFFF0] =	vst v0  }
.Ltmp0:
0x29: {  	[tilespmem:s3+$0xFFFFFFE0] =	vst v0;
	(pc) =	sbr.rel @p0 .LBB2_1-.Ltmp0, $4  }
0x2a: {  	[tilespmem:s3+$0xFFFFFFD0] =	vst v0  }
0x2b: {  	[tilespmem:s3+$0xFFFFFFC0] =	vst v0  }
0x2c: {  	[tilespmem:s3+$0xFFFFFFB0] =	vst v0  }
0x2d: {  	[tilespmem:s3+$0xFFFFFFA0] =	vst v0  }
0x2e: {  	[tilespmem:s3+$0xFFFFFF90] =	vst v0;
	s29 =	simm.s32 $0x1  }
0x2f: {  	_ =	swait.ge [sflag:s29], $0x2800  }
0x30: {  	[sflag:s29] =	ssyncset.done $0x0  }
0x31: {  	s30 =	simm.s32 $0x2;
	[sflag:s29] =	ssyncadd.s32 $0xFFFFD800  }
0x32: {  	_ =	swait.ge [sflag:s30], $0x2710  }
0x33: {  	[sflag:s30] =	ssyncset.done $0x0  }
0x34: {  	s31 =	simm.s32 $0x3;
	[sflag:s30] =	ssyncadd.s32 $0xFFFFD8F0  }
0x35: {  	_ =	swait.ge [sflag:s31], $0x2710  }
0x36: {  	[sflag:s31] =	ssyncset.done $0x0  }
0x37: {  	s6 =	simm.s32 $0x7700;
	[sflag:s31] =	ssyncadd.s32 $0xFFFFD8F0  }
0x38: {  	v61 =	vld [tilespmem:s6+$0x70]  }
0x39: {  	v1 =	vld [tilespmem:s6+$0xFFFFFF90]  }
0x3a: {  	v2 =	vld [tilespmem:s6+$0xFFFFFFA0]  }
0x3b: {  	v3 =	vld [tilespmem:s6+$0xFFFFFFB0]  }
0x3c: {  	v4 =	vld [tilespmem:s6+$0xFFFFFFC0]  }
0x3d: {  	s3 =	simm.s32 $0x2880;
	v5 =	vld [tilespmem:s6+$0xFFFFFFD0]  }
0x3e: {  	v6 =	vld [tilespmem:s3+$0x70]  }
0x3f: {  	v7 =	vld [tilespmem:s6+$0xFFFFFFE0]  }
0x40: {  	v8 =	vld [tilespmem:s6+$0xFFFFFFF0]  }
0x41: {  	v9 =	vld [tilespmem:s6+$0x0]  }
0x42: {  	v10 =	vld [tilespmem:s6+$0x10]  }
0x43: {  	v11 =	vld [tilespmem:s6+$0x20]  }
0x44: {  	v12 =	vld [tilespmem:s6+$0x30]  }
0x45: {  	v62 =	vld [tilespmem:s6+$0x40]  }
0x46: {  	v63 =	vld [tilespmem:s6+$0x50]  }
0x47: {  	v13 =	vld [tilespmem:s6+$0x60]  }
0x48: {  	v14 =	vld [tilespmem:s6+$0xFFFFFF80]  }
0x49: {  	v15 =	vld [tilespmem:s3+$0xFFFFFF80]  }
0x4a: {  	v16 =	vld [tilespmem:s3+$0xFFFFFF90]  }
0x4b: {  	v17 =	vld [tilespmem:s3+$0xFFFFFFA0]  }
0x4c: {  	v18 =	vld [tilespmem:s3+$0xFFFFFFB0]  }
0x4d: {  	v19 =	vld [tilespmem:s3+$0xFFFFFFC0]  }
0x4e: {  	v20 =	vld [tilespmem:s3+$0xFFFFFFD0]  }
0x4f: {  	v21 =	vld [tilespmem:s3+$0xFFFFFFE0]  }
0x50: {  	v22 =	vld [tilespmem:s3+$0xFFFFFFF0]  }
0x51: {  	v23 =	vld [tilespmem:s3+$0x0]  }
0x52: {  	v24 =	vld [tilespmem:s3+$0x10]  }
0x53: {  	v25 =	vld [tilespmem:s3+$0x20]  }
0x54: {  	v26 =	vld [tilespmem:s3+$0x30]  }
0x55: {  	v27 =	vld [tilespmem:s3+$0x40]  }
0x56: {  	v28 =	vld [tilespmem:s3+$0x50]  }
0x57: {  	s4 =	simm.s32 $0x0;
	v29 =	vld [tilespmem:s3+$0x60]  }
0x58: {  	v0 =	vld.idx.msk [tilespmem:v61+s4+$0x0], $0xffff  }
0x59: {  	v1 =	vld.idx.msk [tilespmem:v1+s4+$0x0], $0xffff  }
0x5a: {  	v2 =	vld.idx.msk [tilespmem:v2+s4+$0x0], $0xffff  }
0x5b: {  	v3 =	vld.idx.msk [tilespmem:v3+s4+$0x0], $0xffff  }
0x5c: {  	v4 =	vld.idx.msk [tilespmem:v4+s4+$0x0], $0xffff  }
0x5d: {  	v5 =	vld.idx.msk [tilespmem:v5+s4+$0x0], $0xffff  }
0x5e: {  	v7 =	vld.idx.msk [tilespmem:v7+s4+$0x0], $0xffff  }
0x5f: {  	v8 =	vld.idx.msk [tilespmem:v8+s4+$0x0], $0xffff  }
0x60: {  	v14 =	vld.idx.msk [tilespmem:v14+s4+$0x0], $0xffff  }
0x61: {  	v9 =	vld.idx.msk [tilespmem:v9+s4+$0x0], $0xffff  }
0x62: {  	v10 =	vld.idx.msk [tilespmem:v10+s4+$0x0], $0xffff  }
0x63: {  	v11 =	vld.idx.msk [tilespmem:v11+s4+$0x0], $0xffff  }
0x64: {  	v12 =	vld.idx.msk [tilespmem:v12+s4+$0x0], $0xffff  }
0x65: {  	s5 =	simm.s32 $0xC500;
	v13 =	vld.idx.msk [tilespmem:v13+s4+$0x0], $0xffff  }
0x66: {  	[tilespmem:v6+s5+$0x0] =	vst.idx.add.f32.msk $0xffff, v0  }
0x67: {  	v0 =	vld.idx.msk [tilespmem:v62+s4+$0x0], $0xffff  }
0x68: {  	v6 =	vld.idx.msk [tilespmem:v63+s4+$0x0], $0xffff  }
0x69: {  	[tilespmem:v15+s5+$0x0] =	vst.idx.add.f32.msk $0xffff, v14  }
0x6a: {  	[tilespmem:v16+s5+$0x0] =	vst.idx.add.f32.msk $0xffff, v1  }
0x6b: {  	[tilespmem:v17+s5+$0x0] =	vst.idx.add.f32.msk $0xffff, v2  }
0x6c: {  	[tilespmem:v18+s5+$0x0] =	vst.idx.add.f32.msk $0xffff, v3  }
0x6d: {  	[tilespmem:v19+s5+$0x0] =	vst.idx.add.f32.msk $0xffff, v4  }
0x6e: {  	[tilespmem:v20+s5+$0x0] =	vst.idx.add.f32.msk $0xffff, v5  }
0x6f: {  	[tilespmem:v21+s5+$0x0] =	vst.idx.add.f32.msk $0xffff, v7  }
0x70: {  	[tilespmem:v22+s5+$0x0] =	vst.idx.add.f32.msk $0xffff, v8  }
0x71: {  	[tilespmem:v23+s5+$0x0] =	vst.idx.add.f32.msk $0xffff, v9  }
0x72: {  	[tilespmem:v24+s5+$0x0] =	vst.idx.add.f32.msk $0xffff, v10  }
0x73: {  	[tilespmem:v25+s5+$0x0] =	vst.idx.add.f32.msk $0xffff, v11  }
0x74: {  	[tilespmem:v26+s5+$0x0] =	vst.idx.add.f32.msk $0xffff, v12  }
0x75: {  	[tilespmem:v29+s5+$0x0] =	vst.idx.add.f32.msk $0xffff, v13  }
0x76: {  	[tilespmem:v27+s5+$0x0] =	vst.idx.add.f32.msk $0xffff, v0  }
0x77: {  	s7 =	simm.s32 $0x7800;
	s6 =	simm.s32 $0x0;
	[tilespmem:v28+s5+$0x0] =	vst.idx.add.f32.msk $0xffff, v6  }
.LBB2_3:
0x78: {  	v0 =	vld [tilespmem:s7+$0x70];
	s6 =	sadd.s32 $0x10, s6  }
0x79: {  	v1 =	vld [tilespmem:s7+$0xFFFFFF90];
	p0 =	slt.u32 s6, $0x260  }
0x7a: {  	v2 =	vld [tilespmem:s7+$0xFFFFFFA0]  }
0x7b: {  	v3 =	vld [tilespmem:s7+$0xFFFFFFB0]  }
0x7c: {  	v4 =	vld [tilespmem:s7+$0xFFFFFFC0]  }
0x7d: {  	s3 =	sadd.s32 $0x100, s3;
	v5 =	vld [tilespmem:s7+$0xFFFFFFD0]  }
0x7e: {  	v6 =	vld [tilespmem:s3+$0x70]  }
0x7f: {  	v7 =	vld [tilespmem:s7+$0xFFFFFFE0]  }
0x80: {  	v0 =	vld.idx.msk [tilespmem:v0+s4+$0x0], $0xffff  }
0x81: {  	v8 =	vld [tilespmem:s7+$0xFFFFFFF0]  }
0x82: {  	v9 =	vld [tilespmem:s7+$0x0]  }
0x83: {  	v10 =	vld [tilespmem:s7+$0x10]  }
0x84: {  	v11 =	vld [tilespmem:s7+$0x20]  }
0x85: {  	v12 =	vld [tilespmem:s7+$0x30]  }
0x86: {  	[tilespmem:v6+s5+$0x0] =	vst.idx.add.f32.msk $0xffff, v0  }
0x87: {  	v0 =	vld [tilespmem:s7+$0x40]  }
0x88: {  	v6 =	vld [tilespmem:s7+$0x50]  }
0x89: {  	v13 =	vld [tilespmem:s7+$0x60]  }
0x8a: {  	v14 =	vld [tilespmem:s7+$0xFFFFFF80]  }
0x8b: {  	v1 =	vld.idx.msk [tilespmem:v1+s4+$0x0], $0xffff  }
0x8c: {  	v2 =	vld.idx.msk [tilespmem:v2+s4+$0x0], $0xffff  }
0x8d: {  	v3 =	vld.idx.msk [tilespmem:v3+s4+$0x0], $0xffff  }
0x8e: {  	v4 =	vld.idx.msk [tilespmem:v4+s4+$0x0], $0xffff  }
0x8f: {  	v5 =	vld.idx.msk [tilespmem:v5+s4+$0x0], $0xffff  }
0x90: {  	v7 =	vld.idx.msk [tilespmem:v7+s4+$0x0], $0xffff  }
0x91: {  	v8 =	vld.idx.msk [tilespmem:v8+s4+$0x0], $0xffff  }
0x92: {  	v14 =	vld.idx.msk [tilespmem:v14+s4+$0x0], $0xffff  }
0x93: {  	v9 =	vld.idx.msk [tilespmem:v9+s4+$0x0], $0xffff  }
0x94: {  	v10 =	vld.idx.msk [tilespmem:v10+s4+$0x0], $0xffff  }
0x95: {  	v11 =	vld.idx.msk [tilespmem:v11+s4+$0x0], $0xffff  }
0x96: {  	v12 =	vld.idx.msk [tilespmem:v12+s4+$0x0], $0xffff  }
0x97: {  	v0 =	vld.idx.msk [tilespmem:v0+s4+$0x0], $0xffff  }
0x98: {  	v6 =	vld.idx.msk [tilespmem:v6+s4+$0x0], $0xffff  }
0x99: {  	v13 =	vld.idx.msk [tilespmem:v13+s4+$0x0], $0xffff  }
0x9a: {  	v15 =	vld [tilespmem:s3+$0xFFFFFF80]  }
0x9b: {  	v16 =	vld [tilespmem:s3+$0xFFFFFF90]  }
0x9c: {  	v17 =	vld [tilespmem:s3+$0xFFFFFFA0]  }
0x9d: {  	v18 =	vld [tilespmem:s3+$0xFFFFFFB0]  }
0x9e: {  	v19 =	vld [tilespmem:s3+$0xFFFFFFC0]  }
0x9f: {  	v20 =	vld [tilespmem:s3+$0xFFFFFFD0]  }
0xa0: {  	v21 =	vld [tilespmem:s3+$0xFFFFFFE0]  }
0xa1: {  	v22 =	vld [tilespmem:s3+$0xFFFFFFF0]  }
0xa2: {  	v23 =	vld [tilespmem:s3+$0x0]  }
0xa3: {  	v24 =	vld [tilespmem:s3+$0x10]  }
0xa4: {  	v25 =	vld [tilespmem:s3+$0x20]  }
0xa5: {  	v26 =	vld [tilespmem:s3+$0x30]  }
0xa6: {  	v27 =	vld [tilespmem:s3+$0x40]  }
0xa7: {  	v28 =	vld [tilespmem:s3+$0x50]  }
0xa8: {  	v29 =	vld [tilespmem:s3+$0x60]  }
0xa9: {  	[tilespmem:v15+s5+$0x0] =	vst.idx.add.f32.msk $0xffff, v14  }
0xaa: {  	[tilespmem:v16+s5+$0x0] =	vst.idx.add.f32.msk $0xffff, v1  }
0xab: {  	[tilespmem:v17+s5+$0x0] =	vst.idx.add.f32.msk $0xffff, v2  }
0xac: {  	[tilespmem:v18+s5+$0x0] =	vst.idx.add.f32.msk $0xffff, v3  }
0xad: {  	[tilespmem:v19+s5+$0x0] =	vst.idx.add.f32.msk $0xffff, v4  }
0xae: {  	[tilespmem:v20+s5+$0x0] =	vst.idx.add.f32.msk $0xffff, v5  }
0xaf: {  	[tilespmem:v21+s5+$0x0] =	vst.idx.add.f32.msk $0xffff, v7  }
0xb0: {  	[tilespmem:v22+s5+$0x0] =	vst.idx.add.f32.msk $0xffff, v8  }
0xb1: {  	[tilespmem:v23+s5+$0x0] =	vst.idx.add.f32.msk $0xffff, v9  }
0xb2: {  	[tilespmem:v24+s5+$0x0] =	vst.idx.add.f32.msk $0xffff, v10  }
.Ltmp1:
0xb3: {  	[tilespmem:v25+s5+$0x0] =	vst.idx.add.f32.msk $0xffff, v11;
	(pc) =	sbr.rel @p0 .LBB2_3-.Ltmp1, $4  }
0xb4: {  	[tilespmem:v26+s5+$0x0] =	vst.idx.add.f32.msk $0xffff, v12  }
0xb5: {  	[tilespmem:v27+s5+$0x0] =	vst.idx.add.f32.msk $0xffff, v0  }
0xb6: {  	[tilespmem:v28+s5+$0x0] =	vst.idx.add.f32.msk $0xffff, v6  }
0xb7: {  	s7 =	sadd.s32 $0x100, s7;
	[tilespmem:v29+s5+$0x0] =	vst.idx.add.f32.msk $0xffff, v13  }
0xb8: {  	v0 =	vld [tilespmem:$0x9D80];
	_ =	sdelay $0x4  }
0xb9: {  	v1 =	vld [tilespmem:$0x4F00];
	_ =	sdelay $0x1  }
0xba: {  	s3 =	simm.s32 $0x0  }
0xbb: {  	v0 =	vld.idx.msk [tilespmem:v0+s3+$0x0], $0xffff;
	_ =	sdelay $0x3  }
0xbc: {  	s4 =	simm.s32 $0xC500  }
0xbd: {  	s5 =	simm.s32 $0x4;
	[tilespmem:v1+s4+$0x0] =	vst.idx.add.f32.msk $0xffff, v0  }
0xbe: {  	_ =	swait.ge [sflag:s5], $0x2710  }
0xbf: {  	[sflag:s5] =	ssyncset.done $0x0  }
0xc0: {  	s31 =	simm.s32 $0x5;
	[sflag:s5] =	ssyncadd.s32 $0xFFFFD8F0  }
0xc1: {  	_ =	swait.ge [sflag:s31], $0x2710  }
0xc2: {  	[sflag:s31] =	ssyncset.done $0x0  }
0xc3: {  	s6 =	simm.s32 $0x9E80;
	[sflag:s31] =	ssyncadd.s32 $0xFFFFD8F0  }
0xc4: {  	v60 =	vld [tilespmem:s6+$0x0]  }
0xc5: {  	v61 =	vld [tilespmem:s6+$0xFFFFFF20]  }
0xc6: {  	v2 =	vld [tilespmem:s6+$0xFFFFFF30]  }
0xc7: {  	v3 =	vld [tilespmem:s6+$0xFFFFFF40]  }
0xc8: {  	v4 =	vld [tilespmem:s6+$0xFFFFFF50]  }
0xc9: {  	s5 =	simm.s32 $0x5000;
	v5 =	vld [tilespmem:s6+$0xFFFFFF60]  }
0xca: {  	v6 =	vld [tilespmem:s5+$0x0]  }
0xcb: {  	v7 =	vld [tilespmem:s6+$0xFFFFFF70]  }
0xcc: {  	v8 =	vld [tilespmem:s6+$0xFFFFFF80]  }
0xcd: {  	v9 =	vld [tilespmem:s6+$0xFFFFFF90]  }
0xce: {  	v10 =	vld [tilespmem:s6+$0xFFFFFFA0]  }
0xcf: {  	v11 =	vld [tilespmem:s6+$0xFFFFFFB0]  }
0xd0: {  	v12 =	vld [tilespmem:s6+$0xFFFFFFC0]  }
0xd1: {  	v62 =	vld [tilespmem:s6+$0xFFFFFFD0]  }
0xd2: {  	v63 =	vld [tilespmem:s6+$0xFFFFFFE0]  }
0xd3: {  	v13 =	vld [tilespmem:s6+$0xFFFFFFF0]  }
0xd4: {  	v14 =	vld [tilespmem:s6+$0xFFFFFF10]  }
0xd5: {  	v15 =	vld [tilespmem:s5+$0xFFFFFF10]  }
0xd6: {  	v16 =	vld [tilespmem:s5+$0xFFFFFF20]  }
0xd7: {  	v17 =	vld [tilespmem:s5+$0xFFFFFF30]  }
0xd8: {  	v18 =	vld [tilespmem:s5+$0xFFFFFF40]  }
0xd9: {  	v19 =	vld [tilespmem:s5+$0xFFFFFF50]  }
0xda: {  	v20 =	vld [tilespmem:s5+$0xFFFFFF60]  }
0xdb: {  	v21 =	vld [tilespmem:s5+$0xFFFFFF70]  }
0xdc: {  	v22 =	vld [tilespmem:s5+$0xFFFFFF80]  }
0xdd: {  	v23 =	vld [tilespmem:s5+$0xFFFFFF90]  }
0xde: {  	v24 =	vld [tilespmem:s5+$0xFFFFFFA0]  }
0xdf: {  	v25 =	vld [tilespmem:s5+$0xFFFFFFB0]  }
0xe0: {  	v26 =	vld [tilespmem:s5+$0xFFFFFFC0]  }
0xe1: {  	v27 =	vld [tilespmem:s5+$0xFFFFFFD0]  }
0xe2: {  	v28 =	vld [tilespmem:s5+$0xFFFFFFE0]  }
0xe3: {  	v29 =	vld [tilespmem:s5+$0xFFFFFFF0]  }
0xe4: {  	v0 =	vld.idx.msk [tilespmem:v60+s3+$0x0], $0xffff  }
0xe5: {  	v1 =	vld.idx.msk [tilespmem:v61+s3+$0x0], $0xffff  }
0xe6: {  	v2 =	vld.idx.msk [tilespmem:v2+s3+$0x0], $0xffff  }
0xe7: {  	v3 =	vld.idx.msk [tilespmem:v3+s3+$0x0], $0xffff  }
0xe8: {  	v4 =	vld.idx.msk [tilespmem:v4+s3+$0x0], $0xffff  }
0xe9: {  	v5 =	vld.idx.msk [tilespmem:v5+s3+$0x0], $0xffff  }
0xea: {  	v7 =	vld.idx.msk [tilespmem:v7+s3+$0x0], $0xffff  }
0xeb: {  	v8 =	vld.idx.msk [tilespmem:v8+s3+$0x0], $0xffff  }
0xec: {  	v14 =	vld.idx.msk [tilespmem:v14+s3+$0x0], $0xffff  }
0xed: {  	v9 =	vld.idx.msk [tilespmem:v9+s3+$0x0], $0xffff  }
0xee: {  	v10 =	vld.idx.msk [tilespmem:v10+s3+$0x0], $0xffff  }
0xef: {  	v11 =	vld.idx.msk [tilespmem:v11+s3+$0x0], $0xffff  }
0xf0: {  	v12 =	vld.idx.msk [tilespmem:v12+s3+$0x0], $0xffff  }
0xf1: {  	v13 =	vld.idx.msk [tilespmem:v13+s3+$0x0], $0xffff  }
0xf2: {  	[tilespmem:v6+s4+$0x0] =	vst.idx.add.f32.msk $0xffff, v0  }
0xf3: {  	v0 =	vld.idx.msk [tilespmem:v62+s3+$0x0], $0xffff  }
0xf4: {  	v6 =	vld.idx.msk [tilespmem:v63+s3+$0x0], $0xffff  }
0xf5: {  	[tilespmem:v15+s4+$0x0] =	vst.idx.add.f32.msk $0xffff, v14  }
0xf6: {  	[tilespmem:v16+s4+$0x0] =	vst.idx.add.f32.msk $0xffff, v1  }
0xf7: {  	[tilespmem:v17+s4+$0x0] =	vst.idx.add.f32.msk $0xffff, v2  }
0xf8: {  	[tilespmem:v18+s4+$0x0] =	vst.idx.add.f32.msk $0xffff, v3  }
0xf9: {  	[tilespmem:v19+s4+$0x0] =	vst.idx.add.f32.msk $0xffff, v4  }
0xfa: {  	[tilespmem:v20+s4+$0x0] =	vst.idx.add.f32.msk $0xffff, v5  }
0xfb: {  	[tilespmem:v21+s4+$0x0] =	vst.idx.add.f32.msk $0xffff, v7  }
0xfc: {  	[tilespmem:v22+s4+$0x0] =	vst.idx.add.f32.msk $0xffff, v8  }
0xfd: {  	[tilespmem:v23+s4+$0x0] =	vst.idx.add.f32.msk $0xffff, v9  }
0xfe: {  	[tilespmem:v24+s4+$0x0] =	vst.idx.add.f32.msk $0xffff, v10  }
0xff: {  	[tilespmem:v25+s4+$0x0] =	vst.idx.add.f32.msk $0xffff, v11  }
0x100: {  	[tilespmem:v26+s4+$0x0] =	vst.idx.add.f32.msk $0xffff, v12  }
0x101: {  	[tilespmem:v29+s4+$0x0] =	vst.idx.add.f32.msk $0xffff, v13  }
0x102: {  	[tilespmem:v27+s4+$0x0] =	vst.idx.add.f32.msk $0xffff, v0  }
0x103: {  	s7 =	simm.s32 $0x9F80;
	s6 =	simm.s32 $0x271;
	[tilespmem:v28+s4+$0x0] =	vst.idx.add.f32.msk $0xffff, v6  }
.LBB2_5:
0x104: {  	v0 =	vld [tilespmem:s7+$0x0];
	s6 =	sadd.s32 $0x10, s6  }
0x105: {  	v1 =	vld [tilespmem:s7+$0xFFFFFF20];
	p0 =	slt.u32 s6, $0x4D1  }
0x106: {  	v2 =	vld [tilespmem:s7+$0xFFFFFF30]  }
0x107: {  	v3 =	vld [tilespmem:s7+$0xFFFFFF40]  }
0x108: {  	v4 =	vld [tilespmem:s7+$0xFFFFFF50]  }
0x109: {  	s5 =	sadd.s32 $0x100, s5;
	v5 =	vld [tilespmem:s7+$0xFFFFFF60]  }
0x10a: {  	v6 =	vld [tilespmem:s5+$0x0]  }
0x10b: {  	v7 =	vld [tilespmem:s7+$0xFFFFFF70]  }
0x10c: {  	v0 =	vld.idx.msk [tilespmem:v0+s3+$0x0], $0xffff  }
0x10d: {  	v8 =	vld [tilespmem:s7+$0xFFFFFF80]  }
0x10e: {  	v9 =	vld [tilespmem:s7+$0xFFFFFF90]  }
0x10f: {  	v10 =	vld [tilespmem:s7+$0xFFFFFFA0]  }
0x110: {  	v11 =	vld [tilespmem:s7+$0xFFFFFFB0]  }
0x111: {  	v12 =	vld [tilespmem:s7+$0xFFFFFFC0]  }
0x112: {  	[tilespmem:v6+s4+$0x0] =	vst.idx.add.f32.msk $0xffff, v0  }
0x113: {  	v0 =	vld [tilespmem:s7+$0xFFFFFFD0]  }
0x114: {  	v6 =	vld [tilespmem:s7+$0xFFFFFFE0]  }
0x115: {  	v13 =	vld [tilespmem:s7+$0xFFFFFFF0]  }
0x116: {  	v14 =	vld [tilespmem:s7+$0xFFFFFF10]  }
0x117: {  	v1 =	vld.idx.msk [tilespmem:v1+s3+$0x0], $0xffff  }
0x118: {  	v2 =	vld.idx.msk [tilespmem:v2+s3+$0x0], $0xffff  }
0x119: {  	v3 =	vld.idx.msk [tilespmem:v3+s3+$0x0], $0xffff  }
0x11a: {  	v4 =	vld.idx.msk [tilespmem:v4+s3+$0x0], $0xffff  }
0x11b: {  	v5 =	vld.idx.msk [tilespmem:v5+s3+$0x0], $0xffff  }
0x11c: {  	v7 =	vld.idx.msk [tilespmem:v7+s3+$0x0], $0xffff  }
0x11d: {  	v8 =	vld.idx.msk [tilespmem:v8+s3+$0x0], $0xffff  }
0x11e: {  	v14 =	vld.idx.msk [tilespmem:v14+s3+$0x0], $0xffff  }
0x11f: {  	v9 =	vld.idx.msk [tilespmem:v9+s3+$0x0], $0xffff  }
0x120: {  	v10 =	vld.idx.msk [tilespmem:v10+s3+$0x0], $0xffff  }
0x121: {  	v11 =	vld.idx.msk [tilespmem:v11+s3+$0x0], $0xffff  }
0x122: {  	v12 =	vld.idx.msk [tilespmem:v12+s3+$0x0], $0xffff  }
0x123: {  	v0 =	vld.idx.msk [tilespmem:v0+s3+$0x0], $0xffff  }
0x124: {  	v6 =	vld.idx.msk [tilespmem:v6+s3+$0x0], $0xffff  }
0x125: {  	v13 =	vld.idx.msk [tilespmem:v13+s3+$0x0], $0xffff  }
0x126: {  	v15 =	vld [tilespmem:s5+$0xFFFFFF10]  }
0x127: {  	v16 =	vld [tilespmem:s5+$0xFFFFFF20]  }
0x128: {  	v17 =	vld [tilespmem:s5+$0xFFFFFF30]  }
0x129: {  	v18 =	vld [tilespmem:s5+$0xFFFFFF40]  }
0x12a: {  	v19 =	vld [tilespmem:s5+$0xFFFFFF50]  }
0x12b: {  	v20 =	vld [tilespmem:s5+$0xFFFFFF60]  }
0x12c: {  	v21 =	vld [tilespmem:s5+$0xFFFFFF70]  }
0x12d: {  	v22 =	vld [tilespmem:s5+$0xFFFFFF80]  }
0x12e: {  	v23 =	vld [tilespmem:s5+$0xFFFFFF90]  }
0x12f: {  	v24 =	vld [tilespmem:s5+$0xFFFFFFA0]  }
0x130: {  	v25 =	vld [tilespmem:s5+$0xFFFFFFB0]  }
0x131: {  	v26 =	vld [tilespmem:s5+$0xFFFFFFC0]  }
0x132: {  	v27 =	vld [tilespmem:s5+$0xFFFFFFD0]  }
0x133: {  	v28 =	vld [tilespmem:s5+$0xFFFFFFE0]  }
0x134: {  	v29 =	vld [tilespmem:s5+$0xFFFFFFF0]  }
0x135: {  	[tilespmem:v15+s4+$0x0] =	vst.idx.add.f32.msk $0xffff, v14  }
0x136: {  	[tilespmem:v16+s4+$0x0] =	vst.idx.add.f32.msk $0xffff, v1  }
0x137: {  	[tilespmem:v17+s4+$0x0] =	vst.idx.add.f32.msk $0xffff, v2  }
0x138: {  	[tilespmem:v18+s4+$0x0] =	vst.idx.add.f32.msk $0xffff, v3  }
0x139: {  	[tilespmem:v19+s4+$0x0] =	vst.idx.add.f32.msk $0xffff, v4  }
0x13a: {  	[tilespmem:v20+s4+$0x0] =	vst.idx.add.f32.msk $0xffff, v5  }
0x13b: {  	[tilespmem:v21+s4+$0x0] =	vst.idx.add.f32.msk $0xffff, v7  }
0x13c: {  	[tilespmem:v22+s4+$0x0] =	vst.idx.add.f32.msk $0xffff, v8  }
0x13d: {  	[tilespmem:v23+s4+$0x0] =	vst.idx.add.f32.msk $0xffff, v9  }
0x13e: {  	[tilespmem:v24+s4+$0x0] =	vst.idx.add.f32.msk $0xffff, v10  }
.Ltmp2:
0x13f: {  	[tilespmem:v25+s4+$0x0] =	vst.idx.add.f32.msk $0xffff, v11;
	(pc) =	sbr.rel @p0 .LBB2_5-.Ltmp2, $4  }
0x140: {  	[tilespmem:v26+s4+$0x0] =	vst.idx.add.f32.msk $0xffff, v12  }
0x141: {  	[tilespmem:v27+s4+$0x0] =	vst.idx.add.f32.msk $0xffff, v0  }
0x142: {  	[tilespmem:v28+s4+$0x0] =	vst.idx.add.f32.msk $0xffff, v6  }
0x143: {  	s7 =	sadd.s32 $0x100, s7;
	[tilespmem:v29+s4+$0x0] =	vst.idx.add.f32.msk $0xffff, v13  }
0x144: {  	v0 =	vld [tilespmem:$0xC490];
	_ =	sdelay $0x4  }
0x145: {  	v1 =	vld [tilespmem:$0x7610];
	_ =	sdelay $0x1  }
0x146: {  	s3 =	simm.s32 $0x0  }
0x147: {  	s4 =	sshrl.u32 s1, $0x3;
	v0 =	vld.idx.msk [tilespmem:v0+s3+$0x0], $0xffff  }
0x148: {  	s28 =	sshll.u32 s1, $0x7;
	s26 =	smul.u32 $0x14000, s4  }
0x149: {  	s4 =	sand.u32 $0x380, s28  }
0x14a: {  	s3 =	sor.u32 s4, s26  }
0x14b: {  	s29 =	simm.s32 $0xC500;
	s30 =	simm.s32 $0x80;
	s3 =	sshrl.u32 s3, $0x3  }
0x14c: {  	s5 =	simm.s32 $0x400;
	s31 =	simm.s32 $0x6;
	s2 =	sadd.s32 s2, s3;
	[tilespmem:v1+s29+$0x0] =	vst.idx.add.f32.msk $0xffff, v0  }
0x14d: {  	[hbm4b:s2+s30] =	stream.strided.scatter [tilespmem:s29], [sflag:$0x6], $0x2800, s5, s30, $0x38;
	[tilespmem:$0xED00] =	vst v63  }
0x14e: {  	_ =	swait.ge [sflag:s31], $0x2800  }
0x14f: {  	[sflag:s31] =	ssyncset.done $0x0  }
0x150: {  	[sflag:s31] =	ssyncadd.s32 $0xFFFFD800  }
0x151: {  	_ =	sfence.sel $0x180000  }
0x152: {  	[bflag:$0x0] =	sbarrier.arrive $0xFFFF  }
0x153: {  	p0 =	sne.s32 s1, $0x0;
	_ =	strace $0x90000047  }
0x154: {  	s0 =	sadd.s32 @!p0 $0x100000, s0;
	[bflag:$0x2] =	sbarrier.arrive $0xFFFF  }
0x155: {  	[sflag:s0] =	ssyncadd.tile.s32 @!p0 $0x1;
	_ =	shalt  }
.Lfunc_end2:
_tile_overlayer_lowered:
.L_overlay_start_2:
0x156: {  	(tag) =	ssettag $0x2  }
0x157: {  	s0 =	rddreg [dreg:$0x0];
	s2 =	stileid.u32  }
0x158: {  	s1 =	rddreg [dreg:$0x1];
	p0 =	sne.s32 s2, $0x0  }
0x159: {  	s3 =	rddreg [dreg:$0x2];
	[bflag:$0x3] =	sbarrier.arrive $0xFFFF;
	s2 =	simm.s32 @!p0 $0x1C06  }
0x15a: {  	[timem:s3], [sflag:s2] =	dma.local @!p0 [hbm:s0], s1  }
0x15b: {  	s0 =	simm.s32 @!p0 $0x6  }
0x15c: {  	_ =	swait.ge @!p0 [sflag:s0], s1  }
0x15d: {  	s1 =	ssub.s32 @!p0 $0x0, s1;
	[sflag:s0] =	ssyncset.done @!p0 $0x0  }
0x15e: {  	[sflag:s0] =	ssyncadd.s32 @!p0 s1  }
0x15f: {  	[bflag:$0x3] =	sbarrier.arrive $0xFFFF  }
0x160: {  	_ =	shalt  }

</sc_bundles>
